<compile_context>
chip_gen: v7x
topology: tpu7x:2x2x1
jax: 0.10.2.dev20260603
libtpu: 0.0.44.dev20260713+nightly
codegen_flags: <defaults>
</compile_context>

<pallas_src>
import functools

import jax
import jax.numpy as jnp
from jax import lax
from jax.experimental import pallas as pl
from jax.experimental.pallas import tpu as pltpu
from jax.experimental.pallas import tpu_sc as plsc

_N = 4194304
_LAMB = 0.5
_MARGIN = 1.0

_NC = 2
_NS = 16
_NW = _NC * _NS
_L = 16

_CHUNK = 8192
_STEPS = 6
_NBUF = 2
_PER_W = _CHUNK * _STEPS
_N_SC = _PER_W * _NW
_UNROLL = 8
_ACCS = 4
_VSTEPS = _CHUNK // (_L * _UNROLL)

_TCB = 524288
_TC_GRID = (_N - _N_SC) // _TCB
_TC_BASE = _N_SC // _TCB


def _tec_body(t_hbm, s_hbm, d_hbm, out_hbm, bufs, sems, acc_v):
    wid = lax.axis_index("s") * _NC + lax.axis_index("c")
    base = wid * _PER_W

    def issue(c, b):
        off = base + c * _CHUNK
        return [
            pltpu.async_copy(t_hbm.at[pl.ds(off, _CHUNK)], bufs[b][0], sems[b]),
            pltpu.async_copy(s_hbm.at[pl.ds(off, _CHUNK)], bufs[b][1], sems[b]),
            pltpu.async_copy(d_hbm.at[pl.ds(off, _CHUNK)], bufs[b][2], sems[b]),
        ]

    def compute(t_v, s_v, d_v, accs):
        def vec_body(i, a):
            a = list(a)
            for u in range(_UNROLL):
                sl = pl.ds((i * _UNROLL + u) * _L, _L)
                t = t_v[sl]
                s = s_v[sl]
                d = d_v[sl]
                diff = s - d
                nc = jnp.maximum(0.0, diff * _LAMB - (_LAMB * _MARGIN))
                r = jnp.where(t <= 0.5, nc, diff)
                a[u % _ACCS] = a[u % _ACCS] + r * r
            return tuple(a)

        return lax.fori_loop(0, _VSTEPS, vec_body, accs)

    zero = jnp.zeros((_L,), jnp.float32)
    hbms = (t_hbm, s_hbm, d_hbm)

    for b in range(_NBUF):
        issue(b, b)

    def super_body(g, accs):
        for b in range(_NBUF):
            c = g * _NBUF + b
            for k in range(3):
                pltpu.make_async_copy(
                    hbms[k].at[pl.ds(0, _CHUNK)], bufs[b][k], sems[b]
                ).wait()
            accs = compute(bufs[b][0], bufs[b][1], bufs[b][2], accs)

            @pl.when(c + _NBUF < _STEPS)
            def _():
                issue(c + _NBUF, b)

        return accs

    accs = lax.fori_loop(0, _STEPS // _NBUF, super_body, (zero,) * _ACCS)

    acc = accs[0]
    for a in accs[1:]:
        acc = acc + a
    acc_v[...] = acc
    pltpu.sync_copy(acc_v, out_hbm.at[pl.ds(wid * _L, _L)])


@functools.partial(
    pl.kernel,
    out_type=jax.ShapeDtypeStruct((_NW * _L,), jnp.float32),
    mesh=plsc.VectorSubcoreMesh(core_axis_name="c", subcore_axis_name="s"),
)
def _sc_partials(t_hbm, s_hbm, d_hbm, out_hbm):
    def scoped(*refs):
        bufs = [(refs[3 * b], refs[3 * b + 1], refs[3 * b + 2])
                for b in range(_NBUF)]
        acc_v = refs[3 * _NBUF]
        sems = [refs[3 * _NBUF + 1 + b] for b in range(_NBUF)]
        _tec_body(t_hbm, s_hbm, d_hbm, out_hbm, bufs, sems, acc_v)

    pl.run_scoped(
        scoped,
        *[pltpu.VMEM((_CHUNK,), jnp.float32) for _ in range(3 * _NBUF)],
        pltpu.VMEM((_L,), jnp.float32),
        *[pltpu.SemaphoreType.DMA for _ in range(_NBUF)],
    )


def _tc_block(t_ref, s_ref, d_ref, o_ref):
    @pl.when(pl.program_id(0) == 0)
    def _():
        o_ref[...] = jnp.zeros((8, 128), jnp.float32)

    diff = s_ref[...] - d_ref[...]
    nc = jnp.maximum(0.0, diff * _LAMB - (_LAMB * _MARGIN))
    r = jnp.where(t_ref[...] <= 0.5, nc, diff)
    sq = (r * r).reshape(_TCB // 1024, 8, 128)
    o_ref[...] += jnp.sum(sq, axis=0)


def _tc_sum(targets, scan_t, diag_t, base, grid):
    spec = pl.BlockSpec((_TCB,), lambda i: (i + base,))
    return pl.pallas_call(
        _tc_block,
        grid=(grid,),
        in_specs=[spec, spec, spec],
        out_specs=pl.BlockSpec((8, 128), lambda i: (0, 0)),
        out_shape=jax.ShapeDtypeStruct((8, 128), jnp.float32),
    )(targets, scan_t, diag_t)


def kernel(inputs, targets, scan_t, diag_t):
    del inputs
    partials = _sc_partials(targets, scan_t, diag_t)
    tc = _tc_sum(targets, scan_t, diag_t, _TC_BASE, _TC_GRID)
    return (jnp.sum(partials) + jnp.sum(tc)) / _N

# --- scband reference (transcript-rebuilt; emitter-appended) ---
"""Pipeline reference for scband-reg-risk-76544907149776 (READ-ONLY COPY).

The authoritative reference and input builder live on the scoring server;
editing this copy changes nothing except your own understanding.
"""

import jax, jax.numpy as jnp
import numpy as np

N = 4194304
LAMB = 0.5
MARGIN = 1.0

def setup_inputs(seed: int = 0) -> dict:
    key = jax.random.key(seed)
    k1, k2, k3, k4 = jax.random.split(key, 4)
    return {
        "inputs": jax.random.normal(k1, (N,), dtype=jnp.float32),
        "targets": jax.random.uniform(k2, (N,), dtype=jnp.float32),
        "scan_t": jax.random.normal(k3, (N,), dtype=jnp.float32),
        "diag_t": jax.random.normal(k4, (N,), dtype=jnp.float32),
    }

def reference(inputs, targets, scan_t, diag_t):
    # inputs is accepted by the original forward but never used
    zero = jnp.zeros_like(scan_t)
    diff = scan_t - diag_t
    diff_neg = scan_t - diag_t - MARGIN
    non_cancer = jnp.maximum(zero, LAMB * diff_neg)
    # diff[non_cancer_index] = non_cancer[non_cancer_index] where targets <= 0.5
    diff = jnp.where(targets <= 0.5, non_cancer, diff)
    # mode == 'l2': MSELoss(diff, zeros) with mean reduction
    it1 = jnp.mean(jnp.square(diff - zero))
    return it1

if __name__ == "__main__":
    import jax
    _d = setup_inputs()
    print(jax.jit(kernel)(*tuple(_d.values())))

</pallas_src>

<mosaic_0001>
#map = affine_map<(d0, d1) -> (0)>
module attributes {stable_mosaic.version = 14 : i64} {
  func.func @_sc_partials(%arg0: i32, %arg1: i32, %arg2: memref<4194304xf32, #tpu.memory_space<hbm>>, %arg3: memref<4194304xf32, #tpu.memory_space<hbm>>, %arg4: memref<4194304xf32, #tpu.memory_space<hbm>>, %arg5: memref<512xf32, #tpu.memory_space<hbm>>) attributes {dimension_semantics = [#tpu.dimension_semantics<core_parallel>, #tpu.dimension_semantics<subcore_parallel>], iteration_bounds = array<i64: 2, 16>, scalar_prefetch = 0 : i64, scratch_operands = 0 : i64, tpu.core_type = #tpu.core_type<sc_vector_subcore>, window_params = [{transform_indices = #map}, {transform_indices = #map}, {transform_indices = #map}, {transform_indices = #map}]} {
    "tpu.region"() ({
      %run_scoped3A = memref.alloca() : memref<8192xf32, #tpu.memory_space<vmem>>
      %run_scoped3A_0 = memref.alloca() : memref<8192xf32, #tpu.memory_space<vmem>>
      %run_scoped3A_1 = memref.alloca() : memref<8192xf32, #tpu.memory_space<vmem>>
      %run_scoped3A_2 = memref.alloca() : memref<8192xf32, #tpu.memory_space<vmem>>
      %run_scoped3A_3 = memref.alloca() : memref<8192xf32, #tpu.memory_space<vmem>>
      %run_scoped3A_4 = memref.alloca() : memref<8192xf32, #tpu.memory_space<vmem>>
      %run_scoped3A_5 = memref.alloca() : memref<16xf32, #tpu.memory_space<vmem>>
      %run_scoped3A_6 = tpu.sem_alloc : memref<!tpu.dma_semaphore, #tpu.memory_space<semaphore_mem>>
      %run_scoped3A_7 = tpu.sem_alloc : memref<!tpu.dma_semaphore, #tpu.memory_space<semaphore_mem>>
      %mul3A = arith.constant 2 : i32
      %mul3A_8 = arith.muli %arg1, %mul3A : i32
      %add3A = arith.addi %mul3A_8, %arg0 : i32
      %mul3A_9 = arith.constant 49152 : i32
      %mul3A_10 = arith.muli %add3A, %mul3A_9 : i32
      %broadcast_in_dim3A = arith.constant 0.000000e+00 : f32
      %broadcast_in_dim3A_11 = vector.broadcast %broadcast_in_dim3A : f32 to vector<16xf32>
      %add3A_12 = arith.constant 0 : i32
      %add3A_13 = arith.addi %mul3A_10, %add3A_12 : i32
      %dma_start3A = tpu.memref_slice %arg2[%add3A_13] : memref<4194304xf32, #tpu.memory_space<hbm>> -> memref<8192xf32, #tpu.memory_space<hbm>>
      %dma_start3A_14 = tpu.memref_slice %arg2[%add3A_13] : memref<4194304xf32, #tpu.memory_space<hbm>> -> memref<8192xf32, #tpu.memory_space<hbm>>
      tpu.enqueue_dma source(%dma_start3A_14 : memref<8192xf32, #tpu.memory_space<hbm>>) target(%run_scoped3A : memref<8192xf32, #tpu.memory_space<vmem>>) target_semaphore(%run_scoped3A_6 : memref<!tpu.dma_semaphore, #tpu.memory_space<semaphore_mem>>)
      %dma_start3A_15 = tpu.memref_slice %arg3[%add3A_13] : memref<4194304xf32, #tpu.memory_space<hbm>> -> memref<8192xf32, #tpu.memory_space<hbm>>
      %dma_start3A_16 = tpu.memref_slice %arg3[%add3A_13] : memref<4194304xf32, #tpu.memory_space<hbm>> -> memref<8192xf32, #tpu.memory_space<hbm>>
      tpu.enqueue_dma source(%dma_start3A_16 : memref<8192xf32, #tpu.memory_space<hbm>>) target(%run_scoped3A_0 : memref<8192xf32, #tpu.memory_space<vmem>>) target_semaphore(%run_scoped3A_6 : memref<!tpu.dma_semaphore, #tpu.memory_space<semaphore_mem>>)
      %dma_start3A_17 = tpu.memref_slice %arg4[%add3A_13] : memref<4194304xf32, #tpu.memory_space<hbm>> -> memref<8192xf32, #tpu.memory_space<hbm>>
      %dma_start3A_18 = tpu.memref_slice %arg4[%add3A_13] : memref<4194304xf32, #tpu.memory_space<hbm>> -> memref<8192xf32, #tpu.memory_space<hbm>>
      tpu.enqueue_dma source(%dma_start3A_18 : memref<8192xf32, #tpu.memory_space<hbm>>) target(%run_scoped3A_1 : memref<8192xf32, #tpu.memory_space<vmem>>) target_semaphore(%run_scoped3A_6 : memref<!tpu.dma_semaphore, #tpu.memory_space<semaphore_mem>>)
      %add3A_19 = arith.constant 8192 : i32
      %add3A_20 = arith.addi %mul3A_10, %add3A_19 : i32
      %dma_start3A_21 = tpu.memref_slice %arg2[%add3A_20] : memref<4194304xf32, #tpu.memory_space<hbm>> -> memref<8192xf32, #tpu.memory_space<hbm>>
      %dma_start3A_22 = tpu.memref_slice %arg2[%add3A_20] : memref<4194304xf32, #tpu.memory_space<hbm>> -> memref<8192xf32, #tpu.memory_space<hbm>>
      tpu.enqueue_dma source(%dma_start3A_22 : memref<8192xf32, #tpu.memory_space<hbm>>) target(%run_scoped3A_2 : memref<8192xf32, #tpu.memory_space<vmem>>) target_semaphore(%run_scoped3A_7 : memref<!tpu.dma_semaphore, #tpu.memory_space<semaphore_mem>>)
      %dma_start3A_23 = tpu.memref_slice %arg3[%add3A_20] : memref<4194304xf32, #tpu.memory_space<hbm>> -> memref<8192xf32, #tpu.memory_space<hbm>>
      %dma_start3A_24 = tpu.memref_slice %arg3[%add3A_20] : memref<4194304xf32, #tpu.memory_space<hbm>> -> memref<8192xf32, #tpu.memory_space<hbm>>
      tpu.enqueue_dma source(%dma_start3A_24 : memref<8192xf32, #tpu.memory_space<hbm>>) target(%run_scoped3A_3 : memref<8192xf32, #tpu.memory_space<vmem>>) target_semaphore(%run_scoped3A_7 : memref<!tpu.dma_semaphore, #tpu.memory_space<semaphore_mem>>)
      %dma_start3A_25 = tpu.memref_slice %arg4[%add3A_20] : memref<4194304xf32, #tpu.memory_space<hbm>> -> memref<8192xf32, #tpu.memory_space<hbm>>
      %dma_start3A_26 = tpu.memref_slice %arg4[%add3A_20] : memref<4194304xf32, #tpu.memory_space<hbm>> -> memref<8192xf32, #tpu.memory_space<hbm>>
      tpu.enqueue_dma source(%dma_start3A_26 : memref<8192xf32, #tpu.memory_space<hbm>>) target(%run_scoped3A_4 : memref<8192xf32, #tpu.memory_space<vmem>>) target_semaphore(%run_scoped3A_7 : memref<!tpu.dma_semaphore, #tpu.memory_space<semaphore_mem>>)
      %scan3A = arith.constant 0 : i32
      %scan3A_27 = arith.constant 3 : i32
      %scan3A_28 = arith.addi %scan3A, %scan3A_27 : i32
      %scan3A_29 = arith.constant 1 : i32
      %scan3A_30:4 = scf.for %scan3A_40 = %scan3A to %scan3A_28 step %scan3A_29 iter_args(%scan3A_41 = %broadcast_in_dim3A_11, %scan3A_42 = %broadcast_in_dim3A_11, %scan3A_43 = %broadcast_in_dim3A_11, %scan3A_44 = %broadcast_in_dim3A_11) -> (vector<16xf32>, vector<16xf32>, vector<16xf32>, vector<16xf32>)  : i32 {
        %mul3A_45 = arith.constant 2 : i32
        %mul3A_46 = arith.muli %scan3A_40, %mul3A_45 : i32
        %add3A_47 = arith.constant 0 : i32
        %add3A_48 = arith.addi %mul3A_46, %add3A_47 : i32
        %dma_wait3A = arith.constant 0 : i32
        %dma_wait3A_49 = tpu.memref_slice %arg2[%dma_wait3A] : memref<4194304xf32, #tpu.memory_space<hbm>> -> memref<8192xf32, #tpu.memory_space<hbm>>
        %dma_wait3A_50 = arith.constant 0 : i32
        %dma_wait3A_51 = tpu.memref_slice %arg2[%dma_wait3A_50] : memref<4194304xf32, #tpu.memory_space<hbm>> -> memref<8192xf32, #tpu.memory_space<hbm>>
        tpu.wait_dma2 semaphore(%run_scoped3A_6 : memref<!tpu.dma_semaphore, #tpu.memory_space<semaphore_mem>>) src(%dma_wait3A_51 : memref<8192xf32, #tpu.memory_space<hbm>>) dst(%run_scoped3A : memref<8192xf32, #tpu.memory_space<vmem>>)
        %dma_wait3A_52 = arith.constant 0 : i32
        %dma_wait3A_53 = tpu.memref_slice %arg3[%dma_wait3A_52] : memref<4194304xf32, #tpu.memory_space<hbm>> -> memref<8192xf32, #tpu.memory_space<hbm>>
        %dma_wait3A_54 = arith.constant 0 : i32
        %dma_wait3A_55 = tpu.memref_slice %arg3[%dma_wait3A_54] : memref<4194304xf32, #tpu.memory_space<hbm>> -> memref<8192xf32, #tpu.memory_space<hbm>>
        tpu.wait_dma2 semaphore(%run_scoped3A_6 : memref<!tpu.dma_semaphore, #tpu.memory_space<semaphore_mem>>) src(%dma_wait3A_55 : memref<8192xf32, #tpu.memory_space<hbm>>) dst(%run_scoped3A_0 : memref<8192xf32, #tpu.memory_space<vmem>>)
        %dma_wait3A_56 = arith.constant 0 : i32
        %dma_wait3A_57 = tpu.memref_slice %arg4[%dma_wait3A_56] : memref<4194304xf32, #tpu.memory_space<hbm>> -> memref<8192xf32, #tpu.memory_space<hbm>>
        %dma_wait3A_58 = arith.constant 0 : i32
        %dma_wait3A_59 = tpu.memref_slice %arg4[%dma_wait3A_58] : memref<4194304xf32, #tpu.memory_space<hbm>> -> memref<8192xf32, #tpu.memory_space<hbm>>
        tpu.wait_dma2 semaphore(%run_scoped3A_6 : memref<!tpu.dma_semaphore, #tpu.memory_space<semaphore_mem>>) src(%dma_wait3A_59 : memref<8192xf32, #tpu.memory_space<hbm>>) dst(%run_scoped3A_1 : memref<8192xf32, #tpu.memory_space<vmem>>)
        %scan3A_60 = arith.constant 0 : i32
        %scan3A_61 = arith.constant 64 : i32
        %scan3A_62 = arith.addi %scan3A_60, %scan3A_61 : i32
        %scan3A_63 = arith.constant 1 : i32
        %scan3A_64:4 = scf.for %scan3A_99 = %scan3A_60 to %scan3A_62 step %scan3A_63 iter_args(%scan3A_100 = %scan3A_41, %scan3A_101 = %scan3A_42, %scan3A_102 = %scan3A_43, %scan3A_103 = %scan3A_44) -> (vector<16xf32>, vector<16xf32>, vector<16xf32>, vector<16xf32>)  : i32 {
          %mul3A_104 = arith.constant 8 : i32
          %mul3A_105 = arith.muli %scan3A_99, %mul3A_104 : i32
          %add3A_106 = arith.constant 0 : i32
          %add3A_107 = arith.addi %mul3A_105, %add3A_106 : i32
          %mul3A_108 = arith.constant 16 : i32
          %mul3A_109 = arith.muli %add3A_107, %mul3A_108 : i32
          %get3A = arith.index_cast %mul3A_109 : i32 to index
          %get3A_110 = tpu.vector_load %run_scoped3A[%get3A] {strides = array<i32>} : memref<8192xf32, #tpu.memory_space<vmem>>, vector<16xf32>,
          %get3A_111 = vector.shape_cast %get3A_110 : vector<16xf32> to vector<16xf32>
          %get3A_112 = arith.index_cast %mul3A_109 : i32 to index
          %get3A_113 = tpu.vector_load %run_scoped3A_0[%get3A_112] {strides = array<i32>} : memref<8192xf32, #tpu.memory_space<vmem>>, vector<16xf32>,
          %get3A_114 = vector.shape_cast %get3A_113 : vector<16xf32> to vector<16xf32>
          %get3A_115 = arith.index_cast %mul3A_109 : i32 to index
          %get3A_116 = tpu.vector_load %run_scoped3A_1[%get3A_115] {strides = array<i32>} : memref<8192xf32, #tpu.memory_space<vmem>>, vector<16xf32>,
          %get3A_117 = vector.shape_cast %get3A_116 : vector<16xf32> to vector<16xf32>
          %sub3A = arith.subf %get3A_114, %get3A_117 : vector<16xf32>
          %mul3A_118 = arith.constant 5.000000e-01 : f32
          %mul3A_119 = vector.broadcast %mul3A_118 : f32 to vector<16xf32>
          %mul3A_120 = arith.mulf %sub3A, %mul3A_119 : vector<16xf32>
          %sub3A_121 = arith.constant 5.000000e-01 : f32
          %sub3A_122 = vector.broadcast %sub3A_121 : f32 to vector<16xf32>
          %sub3A_123 = arith.subf %mul3A_120, %sub3A_122 : vector<16xf32>
          %max3A = arith.constant 0.000000e+00 : f32
          %max3A_124 = vector.broadcast %max3A : f32 to vector<16xf32>
          %max3A_125 = arith.maximumf %max3A_124, %sub3A_123 : vector<16xf32>
          %le3A = arith.constant 5.000000e-01 : f32
          %le3A_126 = vector.broadcast %le3A : f32 to vector<16xf32>
          %le3A_127 = arith.cmpf ole, %get3A_111, %le3A_126 : vector<16xf32>
          %select_n3A = arith.select %le3A_127, %max3A_125, %sub3A : vector<16xi1>, vector<16xf32>
          %mul3A_128 = arith.mulf %select_n3A, %select_n3A : vector<16xf32>
          %add3A_129 = arith.addf %scan3A_100, %mul3A_128 : vector<16xf32>
          %mul3A_130 = arith.constant 8 : i32
          %mul3A_131 = arith.muli %scan3A_99, %mul3A_130 : i32
          %add3A_132 = arith.constant 1 : i32
          %add3A_133 = arith.addi %mul3A_131, %add3A_132 : i32
          %mul3A_134 = arith.constant 16 : i32
          %mul3A_135 = arith.muli %add3A_133, %mul3A_134 : i32
          %get3A_136 = arith.index_cast %mul3A_135 : i32 to index
          %get3A_137 = tpu.vector_load %run_scoped3A[%get3A_136] {strides = array<i32>} : memref<8192xf32, #tpu.memory_space<vmem>>, vector<16xf32>,
          %get3A_138 = vector.shape_cast %get3A_137 : vector<16xf32> to vector<16xf32>
          %get3A_139 = arith.index_cast %mul3A_135 : i32 to index
          %get3A_140 = tpu.vector_load %run_scoped3A_0[%get3A_139] {strides = array<i32>} : memref<8192xf32, #tpu.memory_space<vmem>>, vector<16xf32>,
          %get3A_141 = vector.shape_cast %get3A_140 : vector<16xf32> to vector<16xf32>
          %get3A_142 = arith.index_cast %mul3A_135 : i32 to index
          %get3A_143 = tpu.vector_load %run_scoped3A_1[%get3A_142] {strides = array<i32>} : memref<8192xf32, #tpu.memory_space<vmem>>, vector<16xf32>,
          %get3A_144 = vector.shape_cast %get3A_143 : vector<16xf32> to vector<16xf32>
          %sub3A_145 = arith.subf %get3A_141, %get3A_144 : vector<16xf32>
          %mul3A_146 = arith.constant 5.000000e-01 : f32
          %mul3A_147 = vector.broadcast %mul3A_146 : f32 to vector<16xf32>
          %mul3A_148 = arith.mulf %sub3A_145, %mul3A_147 : vector<16xf32>
          %sub3A_149 = arith.constant 5.000000e-01 : f32
          %sub3A_150 = vector.broadcast %sub3A_149 : f32 to vector<16xf32>
          %sub3A_151 = arith.subf %mul3A_148, %sub3A_150 : vector<16xf32>
          %max3A_152 = arith.constant 0.000000e+00 : f32
          %max3A_153 = vector.broadcast %max3A_152 : f32 to vector<16xf32>
          %max3A_154 = arith.maximumf %max3A_153, %sub3A_151 : vector<16xf32>
          %le3A_155 = arith.constant 5.000000e-01 : f32
          %le3A_156 = vector.broadcast %le3A_155 : f32 to vector<16xf32>
          %le3A_157 = arith.cmpf ole, %get3A_138, %le3A_156 : vector<16xf32>
          %select_n3A_158 = arith.select %le3A_157, %max3A_154, %sub3A_145 : vector<16xi1>, vector<16xf32>
          %mul3A_159 = arith.mulf %select_n3A_158, %select_n3A_158 : vector<16xf32>
          %add3A_160 = arith.addf %scan3A_101, %mul3A_159 : vector<16xf32>
          %mul3A_161 = arith.constant 8 : i32
          %mul3A_162 = arith.muli %scan3A_99, %mul3A_161 : i32
          %add3A_163 = arith.constant 2 : i32
          %add3A_164 = arith.addi %mul3A_162, %add3A_163 : i32
          %mul3A_165 = arith.constant 16 : i32
          %mul3A_166 = arith.muli %add3A_164, %mul3A_165 : i32
          %get3A_167 = arith.index_cast %mul3A_166 : i32 to index
          %get3A_168 = tpu.vector_load %run_scoped3A[%get3A_167] {strides = array<i32>} : memref<8192xf32, #tpu.memory_space<vmem>>, vector<16xf32>,
          %get3A_169 = vector.shape_cast %get3A_168 : vector<16xf32> to vector<16xf32>
          %get3A_170 = arith.index_cast %mul3A_166 : i32 to index
          %get3A_171 = tpu.vector_load %run_scoped3A_0[%get3A_170] {strides = array<i32>} : memref<8192xf32, #tpu.memory_space<vmem>>, vector<16xf32>,
          %get3A_172 = vector.shape_cast %get3A_171 : vector<16xf32> to vector<16xf32>
          %get3A_173 = arith.index_cast %mul3A_166 : i32 to index
          %get3A_174 = tpu.vector_load %run_scoped3A_1[%get3A_173] {strides = array<i32>} : memref<8192xf32, #tpu.memory_space<vmem>>, vector<16xf32>,
          %get3A_175 = vector.shape_cast %get3A_174 : vector<16xf32> to vector<16xf32>
          %sub3A_176 = arith.subf %get3A_172, %get3A_175 : vector<16xf32>
          %mul3A_177 = arith.constant 5.000000e-01 : f32
          %mul3A_178 = vector.broadcast %mul3A_177 : f32 to vector<16xf32>
          %mul3A_179 = arith.mulf %sub3A_176, %mul3A_178 : vector<16xf32>
          %sub3A_180 = arith.constant 5.000000e-01 : f32
          %sub3A_181 = vector.broadcast %sub3A_180 : f32 to vector<16xf32>
          %sub3A_182 = arith.subf %mul3A_179, %sub3A_181 : vector<16xf32>
          %max3A_183 = arith.constant 0.000000e+00 : f32
          %max3A_184 = vector.broadcast %max3A_183 : f32 to vector<16xf32>
          %max3A_185 = arith.maximumf %max3A_184, %sub3A_182 : vector<16xf32>
          %le3A_186 = arith.constant 5.000000e-01 : f32
          %le3A_187 = vector.broadcast %le3A_186 : f32 to vector<16xf32>
          %le3A_188 = arith.cmpf ole, %get3A_169, %le3A_187 : vector<16xf32>
          %select_n3A_189 = arith.select %le3A_188, %max3A_185, %sub3A_176 : vector<16xi1>, vector<16xf32>
          %mul3A_190 = arith.mulf %select_n3A_189, %select_n3A_189 : vector<16xf32>
          %add3A_191 = arith.addf %scan3A_102, %mul3A_190 : vector<16xf32>
          %mul3A_192 = arith.constant 8 : i32
          %mul3A_193 = arith.muli %scan3A_99, %mul3A_192 : i32
          %add3A_194 = arith.constant 3 : i32
          %add3A_195 = arith.addi %mul3A_193, %add3A_194 : i32
          %mul3A_196 = arith.constant 16 : i32
          %mul3A_197 = arith.muli %add3A_195, %mul3A_196 : i32
          %get3A_198 = arith.index_cast %mul3A_197 : i32 to index
          %get3A_199 = tpu.vector_load %run_scoped3A[%get3A_198] {strides = array<i32>} : memref<8192xf32, #tpu.memory_space<vmem>>, vector<16xf32>,
          %get3A_200 = vector.shape_cast %get3A_199 : vector<16xf32> to vector<16xf32>
          %get3A_201 = arith.index_cast %mul3A_197 : i32 to index
          %get3A_202 = tpu.vector_load %run_scoped3A_0[%get3A_201] {strides = array<i32>} : memref<8192xf32, #tpu.memory_space<vmem>>, vector<16xf32>,
          %get3A_203 = vector.shape_cast %get3A_202 : vector<16xf32> to vector<16xf32>
          %get3A_204 = arith.index_cast %mul3A_197 : i32 to index
          %get3A_205 = tpu.vector_load %run_scoped3A_1[%get3A_204] {strides = array<i32>} : memref<8192xf32, #tpu.memory_space<vmem>>, vector<16xf32>,
          %get3A_206 = vector.shape_cast %get3A_205 : vector<16xf32> to vector<16xf32>
          %sub3A_207 = arith.subf %get3A_203, %get3A_206 : vector<16xf32>
          %mul3A_208 = arith.constant 5.000000e-01 : f32
          %mul3A_209 = vector.broadcast %mul3A_208 : f32 to vector<16xf32>
          %mul3A_210 = arith.mulf %sub3A_207, %mul3A_209 : vector<16xf32>
          %sub3A_211 = arith.constant 5.000000e-01 : f32
          %sub3A_212 = vector.broadcast %sub3A_211 : f32 to vector<16xf32>
          %sub3A_213 = arith.subf %mul3A_210, %sub3A_212 : vector<16xf32>
          %max3A_214 = arith.constant 0.000000e+00 : f32
          %max3A_215 = vector.broadcast %max3A_214 : f32 to vector<16xf32>
          %max3A_216 = arith.maximumf %max3A_215, %sub3A_213 : vector<16xf32>
          %le3A_217 = arith.constant 5.000000e-01 : f32
          %le3A_218 = vector.broadcast %le3A_217 : f32 to vector<16xf32>
          %le3A_219 = arith.cmpf ole, %get3A_200, %le3A_218 : vector<16xf32>
          %select_n3A_220 = arith.select %le3A_219, %max3A_216, %sub3A_207 : vector<16xi1>, vector<16xf32>
          %mul3A_221 = arith.mulf %select_n3A_220, %select_n3A_220 : vector<16xf32>
          %add3A_222 = arith.addf %scan3A_103, %mul3A_221 : vector<16xf32>
          %mul3A_223 = arith.constant 8 : i32
          %mul3A_224 = arith.muli %scan3A_99, %mul3A_223 : i32
          %add3A_225 = arith.constant 4 : i32
          %add3A_226 = arith.addi %mul3A_224, %add3A_225 : i32
          %mul3A_227 = arith.constant 16 : i32
          %mul3A_228 = arith.muli %add3A_226, %mul3A_227 : i32
          %get3A_229 = arith.index_cast %mul3A_228 : i32 to index
          %get3A_230 = tpu.vector_load %run_scoped3A[%get3A_229] {strides = array<i32>} : memref<8192xf32, #tpu.memory_space<vmem>>, vector<16xf32>,
          %get3A_231 = vector.shape_cast %get3A_230 : vector<16xf32> to vector<16xf32>
          %get3A_232 = arith.index_cast %mul3A_228 : i32 to index
          %get3A_233 = tpu.vector_load %run_scoped3A_0[%get3A_232] {strides = array<i32>} : memref<8192xf32, #tpu.memory_space<vmem>>, vector<16xf32>,
          %get3A_234 = vector.shape_cast %get3A_233 : vector<16xf32> to vector<16xf32>
          %get3A_235 = arith.index_cast %mul3A_228 : i32 to index
          %get3A_236 = tpu.vector_load %run_scoped3A_1[%get3A_235] {strides = array<i32>} : memref<8192xf32, #tpu.memory_space<vmem>>, vector<16xf32>,
          %get3A_237 = vector.shape_cast %get3A_236 : vector<16xf32> to vector<16xf32>
          %sub3A_238 = arith.subf %get3A_234, %get3A_237 : vector<16xf32>
          %mul3A_239 = arith.constant 5.000000e-01 : f32
          %mul3A_240 = vector.broadcast %mul3A_239 : f32 to vector<16xf32>
          %mul3A_241 = arith.mulf %sub3A_238, %mul3A_240 : vector<16xf32>
          %sub3A_242 = arith.constant 5.000000e-01 : f32
          %sub3A_243 = vector.broadcast %sub3A_242 : f32 to vector<16xf32>
          %sub3A_244 = arith.subf %mul3A_241, %sub3A_243 : vector<16xf32>
          %max3A_245 = arith.constant 0.000000e+00 : f32
          %max3A_246 = vector.broadcast %max3A_245 : f32 to vector<16xf32>
          %max3A_247 = arith.maximumf %max3A_246, %sub3A_244 : vector<16xf32>
          %le3A_248 = arith.constant 5.000000e-01 : f32
          %le3A_249 = vector.broadcast %le3A_248 : f32 to vector<16xf32>
          %le3A_250 = arith.cmpf ole, %get3A_231, %le3A_249 : vector<16xf32>
          %select_n3A_251 = arith.select %le3A_250, %max3A_247, %sub3A_238 : vector<16xi1>, vector<16xf32>
          %mul3A_252 = arith.mulf %select_n3A_251, %select_n3A_251 : vector<16xf32>
          %add3A_253 = arith.addf %add3A_129, %mul3A_252 : vector<16xf32>
          %mul3A_254 = arith.constant 8 : i32
          %mul3A_255 = arith.muli %scan3A_99, %mul3A_254 : i32
          %add3A_256 = arith.constant 5 : i32
          %add3A_257 = arith.addi %mul3A_255, %add3A_256 : i32
          %mul3A_258 = arith.constant 16 : i32
          %mul3A_259 = arith.muli %add3A_257, %mul3A_258 : i32
          %get3A_260 = arith.index_cast %mul3A_259 : i32 to index
          %get3A_261 = tpu.vector_load %run_scoped3A[%get3A_260] {strides = array<i32>} : memref<8192xf32, #tpu.memory_space<vmem>>, vector<16xf32>,
          %get3A_262 = vector.shape_cast %get3A_261 : vector<16xf32> to vector<16xf32>
          %get3A_263 = arith.index_cast %mul3A_259 : i32 to index
          %get3A_264 = tpu.vector_load %run_scoped3A_0[%get3A_263] {strides = array<i32>} : memref<8192xf32, #tpu.memory_space<vmem>>, vector<16xf32>,
          %get3A_265 = vector.shape_cast %get3A_264 : vector<16xf32> to vector<16xf32>
          %get3A_266 = arith.index_cast %mul3A_259 : i32 to index
          %get3A_267 = tpu.vector_load %run_scoped3A_1[%get3A_266] {strides = array<i32>} : memref<8192xf32, #tpu.memory_space<vmem>>, vector<16xf32>,
          %get3A_268 = vector.shape_cast %get3A_267 : vector<16xf32> to vector<16xf32>
          %sub3A_269 = arith.subf %get3A_265, %get3A_268 : vector<16xf32>
          %mul3A_270 = arith.constant 5.000000e-01 : f32
          %mul3A_271 = vector.broadcast %mul3A_270 : f32 to vector<16xf32>
          %mul3A_272 = arith.mulf %sub3A_269, %mul3A_271 : vector<16xf32>
          %sub3A_273 = arith.constant 5.000000e-01 : f32
          %sub3A_274 = vector.broadcast %sub3A_273 : f32 to vector<16xf32>
          %sub3A_275 = arith.subf %mul3A_272, %sub3A_274 : vector<16xf32>
          %max3A_276 = arith.constant 0.000000e+00 : f32
          %max3A_277 = vector.broadcast %max3A_276 : f32 to vector<16xf32>
          %max3A_278 = arith.maximumf %max3A_277, %sub3A_275 : vector<16xf32>
          %le3A_279 = arith.constant 5.000000e-01 : f32
          %le3A_280 = vector.broadcast %le3A_279 : f32 to vector<16xf32>
          %le3A_281 = arith.cmpf ole, %get3A_262, %le3A_280 : vector<16xf32>
          %select_n3A_282 = arith.select %le3A_281, %max3A_278, %sub3A_269 : vector<16xi1>, vector<16xf32>
          %mul3A_283 = arith.mulf %select_n3A_282, %select_n3A_282 : vector<16xf32>
          %add3A_284 = arith.addf %add3A_160, %mul3A_283 : vector<16xf32>
          %mul3A_285 = arith.constant 8 : i32
          %mul3A_286 = arith.muli %scan3A_99, %mul3A_285 : i32
          %add3A_287 = arith.constant 6 : i32
          %add3A_288 = arith.addi %mul3A_286, %add3A_287 : i32
          %mul3A_289 = arith.constant 16 : i32
          %mul3A_290 = arith.muli %add3A_288, %mul3A_289 : i32
          %get3A_291 = arith.index_cast %mul3A_290 : i32 to index
          %get3A_292 = tpu.vector_load %run_scoped3A[%get3A_291] {strides = array<i32>} : memref<8192xf32, #tpu.memory_space<vmem>>, vector<16xf32>,
          %get3A_293 = vector.shape_cast %get3A_292 : vector<16xf32> to vector<16xf32>
          %get3A_294 = arith.index_cast %mul3A_290 : i32 to index
          %get3A_295 = tpu.vector_load %run_scoped3A_0[%get3A_294] {strides = array<i32>} : memref<8192xf32, #tpu.memory_space<vmem>>, vector<16xf32>,
          %get3A_296 = vector.shape_cast %get3A_295 : vector<16xf32> to vector<16xf32>
          %get3A_297 = arith.index_cast %mul3A_290 : i32 to index
          %get3A_298 = tpu.vector_load %run_scoped3A_1[%get3A_297] {strides = array<i32>} : memref<8192xf32, #tpu.memory_space<vmem>>, vector<16xf32>,
          %get3A_299 = vector.shape_cast %get3A_298 : vector<16xf32> to vector<16xf32>
          %sub3A_300 = arith.subf %get3A_296, %get3A_299 : vector<16xf32>
          %mul3A_301 = arith.constant 5.000000e-01 : f32
          %mul3A_302 = vector.broadcast %mul3A_301 : f32 to vector<16xf32>
          %mul3A_303 = arith.mulf %sub3A_300, %mul3A_302 : vector<16xf32>
          %sub3A_304 = arith.constant 5.000000e-01 : f32
          %sub3A_305 = vector.broadcast %sub3A_304 : f32 to vector<16xf32>
          %sub3A_306 = arith.subf %mul3A_303, %sub3A_305 : vector<16xf32>
          %max3A_307 = arith.constant 0.000000e+00 : f32
          %max3A_308 = vector.broadcast %max3A_307 : f32 to vector<16xf32>
          %max3A_309 = arith.maximumf %max3A_308, %sub3A_306 : vector<16xf32>
          %le3A_310 = arith.constant 5.000000e-01 : f32
          %le3A_311 = vector.broadcast %le3A_310 : f32 to vector<16xf32>
          %le3A_312 = arith.cmpf ole, %get3A_293, %le3A_311 : vector<16xf32>
          %select_n3A_313 = arith.select %le3A_312, %max3A_309, %sub3A_300 : vector<16xi1>, vector<16xf32>
          %mul3A_314 = arith.mulf %select_n3A_313, %select_n3A_313 : vector<16xf32>
          %add3A_315 = arith.addf %add3A_191, %mul3A_314 : vector<16xf32>
          %mul3A_316 = arith.constant 8 : i32
          %mul3A_317 = arith.muli %scan3A_99, %mul3A_316 : i32
          %add3A_318 = arith.constant 7 : i32
          %add3A_319 = arith.addi %mul3A_317, %add3A_318 : i32
          %mul3A_320 = arith.constant 16 : i32
          %mul3A_321 = arith.muli %add3A_319, %mul3A_320 : i32
          %get3A_322 = arith.index_cast %mul3A_321 : i32 to index
          %get3A_323 = tpu.vector_load %run_scoped3A[%get3A_322] {strides = array<i32>} : memref<8192xf32, #tpu.memory_space<vmem>>, vector<16xf32>,
          %get3A_324 = vector.shape_cast %get3A_323 : vector<16xf32> to vector<16xf32>
          %get3A_325 = arith.index_cast %mul3A_321 : i32 to index
          %get3A_326 = tpu.vector_load %run_scoped3A_0[%get3A_325] {strides = array<i32>} : memref<8192xf32, #tpu.memory_space<vmem>>, vector<16xf32>,
          %get3A_327 = vector.shape_cast %get3A_326 : vector<16xf32> to vector<16xf32>
          %get3A_328 = arith.index_cast %mul3A_321 : i32 to index
          %get3A_329 = tpu.vector_load %run_scoped3A_1[%get3A_328] {strides = array<i32>} : memref<8192xf32, #tpu.memory_space<vmem>>, vector<16xf32>,
          %get3A_330 = vector.shape_cast %get3A_329 : vector<16xf32> to vector<16xf32>
          %sub3A_331 = arith.subf %get3A_327, %get3A_330 : vector<16xf32>
          %mul3A_332 = arith.constant 5.000000e-01 : f32
          %mul3A_333 = vector.broadcast %mul3A_332 : f32 to vector<16xf32>
          %mul3A_334 = arith.mulf %sub3A_331, %mul3A_333 : vector<16xf32>
          %sub3A_335 = arith.constant 5.000000e-01 : f32
          %sub3A_336 = vector.broadcast %sub3A_335 : f32 to vector<16xf32>
          %sub3A_337 = arith.subf %mul3A_334, %sub3A_336 : vector<16xf32>
          %max3A_338 = arith.constant 0.000000e+00 : f32
          %max3A_339 = vector.broadcast %max3A_338 : f32 to vector<16xf32>
          %max3A_340 = arith.maximumf %max3A_339, %sub3A_337 : vector<16xf32>
          %le3A_341 = arith.constant 5.000000e-01 : f32
          %le3A_342 = vector.broadcast %le3A_341 : f32 to vector<16xf32>
          %le3A_343 = arith.cmpf ole, %get3A_324, %le3A_342 : vector<16xf32>
          %select_n3A_344 = arith.select %le3A_343, %max3A_340, %sub3A_331 : vector<16xi1>, vector<16xf32>
          %mul3A_345 = arith.mulf %select_n3A_344, %select_n3A_344 : vector<16xf32>
          %add3A_346 = arith.addf %add3A_222, %mul3A_345 : vector<16xf32>
          scf.yield %add3A_253, %add3A_284, %add3A_315, %add3A_346 : vector<16xf32>, vector<16xf32>, vector<16xf32>, vector<16xf32>
        }
        %scan3A_65 = arith.constant 64 : i32
        %add3A_66 = arith.constant 2 : i32
        %add3A_67 = arith.addi %add3A_48, %add3A_66 : i32
        %lt3A = arith.constant 6 : i32
        %lt3A_68 = arith.cmpi slt, %add3A_67, %lt3A : i32
        %convert_element_type3A = arith.extui %lt3A_68 : i1 to i32
        %cond3A = arith.constant 0 : i32
        %cond3A_69 = arith.cmpi ne, %convert_element_type3A, %cond3A : i32
        scf.if %cond3A_69 {
          %add3A_99 = arith.constant 2 : i32
          %add3A_100 = arith.addi %add3A_48, %add3A_99 : i32
          %mul3A_101 = arith.constant 8192 : i32
          %mul3A_102 = arith.muli %add3A_100, %mul3A_101 : i32
          %add3A_103 = arith.addi %mul3A_10, %mul3A_102 : i32
          %dma_start3A_104 = tpu.memref_slice %arg2[%add3A_103] : memref<4194304xf32, #tpu.memory_space<hbm>> -> memref<8192xf32, #tpu.memory_space<hbm>>
          %dma_start3A_105 = tpu.memref_slice %arg2[%add3A_103] : memref<4194304xf32, #tpu.memory_space<hbm>> -> memref<8192xf32, #tpu.memory_space<hbm>>
          tpu.enqueue_dma source(%dma_start3A_105 : memref<8192xf32, #tpu.memory_space<hbm>>) target(%run_scoped3A : memref<8192xf32, #tpu.memory_space<vmem>>) target_semaphore(%run_scoped3A_6 : memref<!tpu.dma_semaphore, #tpu.memory_space<semaphore_mem>>)
          %dma_start3A_106 = tpu.memref_slice %arg3[%add3A_103] : memref<4194304xf32, #tpu.memory_space<hbm>> -> memref<8192xf32, #tpu.memory_space<hbm>>
          %dma_start3A_107 = tpu.memref_slice %arg3[%add3A_103] : memref<4194304xf32, #tpu.memory_space<hbm>> -> memref<8192xf32, #tpu.memory_space<hbm>>
          tpu.enqueue_dma source(%dma_start3A_107 : memref<8192xf32, #tpu.memory_space<hbm>>) target(%run_scoped3A_0 : memref<8192xf32, #tpu.memory_space<vmem>>) target_semaphore(%run_scoped3A_6 : memref<!tpu.dma_semaphore, #tpu.memory_space<semaphore_mem>>)
          %dma_start3A_108 = tpu.memref_slice %arg4[%add3A_103] : memref<4194304xf32, #tpu.memory_space<hbm>> -> memref<8192xf32, #tpu.memory_space<hbm>>
          %dma_start3A_109 = tpu.memref_slice %arg4[%add3A_103] : memref<4194304xf32, #tpu.memory_space<hbm>> -> memref<8192xf32, #tpu.memory_space<hbm>>
          tpu.enqueue_dma source(%dma_start3A_109 : memref<8192xf32, #tpu.memory_space<hbm>>) target(%run_scoped3A_1 : memref<8192xf32, #tpu.memory_space<vmem>>) target_semaphore(%run_scoped3A_6 : memref<!tpu.dma_semaphore, #tpu.memory_space<semaphore_mem>>)
        } else {
        }
        %mul3A_70 = arith.constant 2 : i32
        %mul3A_71 = arith.muli %scan3A_40, %mul3A_70 : i32
        %add3A_72 = arith.constant 1 : i32
        %add3A_73 = arith.addi %mul3A_71, %add3A_72 : i32
        %dma_wait3A_74 = arith.constant 0 : i32
        %dma_wait3A_75 = tpu.memref_slice %arg2[%dma_wait3A_74] : memref<4194304xf32, #tpu.memory_space<hbm>> -> memref<8192xf32, #tpu.memory_space<hbm>>
        %dma_wait3A_76 = arith.constant 0 : i32
        %dma_wait3A_77 = tpu.memref_slice %arg2[%dma_wait3A_76] : memref<4194304xf32, #tpu.memory_space<hbm>> -> memref<8192xf32, #tpu.memory_space<hbm>>
        tpu.wait_dma2 semaphore(%run_scoped3A_7 : memref<!tpu.dma_semaphore, #tpu.memory_space<semaphore_mem>>) src(%dma_wait3A_77 : memref<8192xf32, #tpu.memory_space<hbm>>) dst(%run_scoped3A_2 : memref<8192xf32, #tpu.memory_space<vmem>>)
        %dma_wait3A_78 = arith.constant 0 : i32
        %dma_wait3A_79 = tpu.memref_slice %arg3[%dma_wait3A_78] : memref<4194304xf32, #tpu.memory_space<hbm>> -> memref<8192xf32, #tpu.memory_space<hbm>>
        %dma_wait3A_80 = arith.constant 0 : i32
        %dma_wait3A_81 = tpu.memref_slice %arg3[%dma_wait3A_80] : memref<4194304xf32, #tpu.memory_space<hbm>> -> memref<8192xf32, #tpu.memory_space<hbm>>
        tpu.wait_dma2 semaphore(%run_scoped3A_7 : memref<!tpu.dma_semaphore, #tpu.memory_space<semaphore_mem>>) src(%dma_wait3A_81 : memref<8192xf32, #tpu.memory_space<hbm>>) dst(%run_scoped3A_3 : memref<8192xf32, #tpu.memory_space<vmem>>)
        %dma_wait3A_82 = arith.constant 0 : i32
        %dma_wait3A_83 = tpu.memref_slice %arg4[%dma_wait3A_82] : memref<4194304xf32, #tpu.memory_space<hbm>> -> memref<8192xf32, #tpu.memory_space<hbm>>
        %dma_wait3A_84 = arith.constant 0 : i32
        %dma_wait3A_85 = tpu.memref_slice %arg4[%dma_wait3A_84] : memref<4194304xf32, #tpu.memory_space<hbm>> -> memref<8192xf32, #tpu.memory_space<hbm>>
        tpu.wait_dma2 semaphore(%run_scoped3A_7 : memref<!tpu.dma_semaphore, #tpu.memory_space<semaphore_mem>>) src(%dma_wait3A_85 : memref<8192xf32, #tpu.memory_space<hbm>>) dst(%run_scoped3A_4 : memref<8192xf32, #tpu.memory_space<vmem>>)
        %scan3A_86 = arith.constant 0 : i32
        %scan3A_87 = arith.constant 64 : i32
        %scan3A_88 = arith.addi %scan3A_86, %scan3A_87 : i32
        %scan3A_89 = arith.constant 1 : i32
        %scan3A_90:4 = scf.for %scan3A_99 = %scan3A_86 to %scan3A_88 step %scan3A_89 iter_args(%scan3A_100 = %scan3A_64#0, %scan3A_101 = %scan3A_64#1, %scan3A_102 = %scan3A_64#2, %scan3A_103 = %scan3A_64#3) -> (vector<16xf32>, vector<16xf32>, vector<16xf32>, vector<16xf32>)  : i32 {
          %mul3A_104 = arith.constant 8 : i32
          %mul3A_105 = arith.muli %scan3A_99, %mul3A_104 : i32
          %add3A_106 = arith.constant 0 : i32
          %add3A_107 = arith.addi %mul3A_105, %add3A_106 : i32
          %mul3A_108 = arith.constant 16 : i32
          %mul3A_109 = arith.muli %add3A_107, %mul3A_108 : i32
          %get3A = arith.index_cast %mul3A_109 : i32 to index
          %get3A_110 = tpu.vector_load %run_scoped3A_2[%get3A] {strides = array<i32>} : memref<8192xf32, #tpu.memory_space<vmem>>, vector<16xf32>,
          %get3A_111 = vector.shape_cast %get3A_110 : vector<16xf32> to vector<16xf32>
          %get3A_112 = arith.index_cast %mul3A_109 : i32 to index
          %get3A_113 = tpu.vector_load %run_scoped3A_3[%get3A_112] {strides = array<i32>} : memref<8192xf32, #tpu.memory_space<vmem>>, vector<16xf32>,
          %get3A_114 = vector.shape_cast %get3A_113 : vector<16xf32> to vector<16xf32>
          %get3A_115 = arith.index_cast %mul3A_109 : i32 to index
          %get3A_116 = tpu.vector_load %run_scoped3A_4[%get3A_115] {strides = array<i32>} : memref<8192xf32, #tpu.memory_space<vmem>>, vector<16xf32>,
          %get3A_117 = vector.shape_cast %get3A_116 : vector<16xf32> to vector<16xf32>
          %sub3A = arith.subf %get3A_114, %get3A_117 : vector<16xf32>
          %mul3A_118 = arith.constant 5.000000e-01 : f32
          %mul3A_119 = vector.broadcast %mul3A_118 : f32 to vector<16xf32>
          %mul3A_120 = arith.mulf %sub3A, %mul3A_119 : vector<16xf32>
          %sub3A_121 = arith.constant 5.000000e-01 : f32
          %sub3A_122 = vector.broadcast %sub3A_121 : f32 to vector<16xf32>
          %sub3A_123 = arith.subf %mul3A_120, %sub3A_122 : vector<16xf32>
          %max3A = arith.constant 0.000000e+00 : f32
          %max3A_124 = vector.broadcast %max3A : f32 to vector<16xf32>
          %max3A_125 = arith.maximumf %max3A_124, %sub3A_123 : vector<16xf32>
          %le3A = arith.constant 5.000000e-01 : f32
          %le3A_126 = vector.broadcast %le3A : f32 to vector<16xf32>
          %le3A_127 = arith.cmpf ole, %get3A_111, %le3A_126 : vector<16xf32>
          %select_n3A = arith.select %le3A_127, %max3A_125, %sub3A : vector<16xi1>, vector<16xf32>
          %mul3A_128 = arith.mulf %select_n3A, %select_n3A : vector<16xf32>
          %add3A_129 = arith.addf %scan3A_100, %mul3A_128 : vector<16xf32>
          %mul3A_130 = arith.constant 8 : i32
          %mul3A_131 = arith.muli %scan3A_99, %mul3A_130 : i32
          %add3A_132 = arith.constant 1 : i32
          %add3A_133 = arith.addi %mul3A_131, %add3A_132 : i32
          %mul3A_134 = arith.constant 16 : i32
          %mul3A_135 = arith.muli %add3A_133, %mul3A_134 : i32
          %get3A_136 = arith.index_cast %mul3A_135 : i32 to index
          %get3A_137 = tpu.vector_load %run_scoped3A_2[%get3A_136] {strides = array<i32>} : memref<8192xf32, #tpu.memory_space<vmem>>, vector<16xf32>,
          %get3A_138 = vector.shape_cast %get3A_137 : vector<16xf32> to vector<16xf32>
          %get3A_139 = arith.index_cast %mul3A_135 : i32 to index
          %get3A_140 = tpu.vector_load %run_scoped3A_3[%get3A_139] {strides = array<i32>} : memref<8192xf32, #tpu.memory_space<vmem>>, vector<16xf32>,
          %get3A_141 = vector.shape_cast %get3A_140 : vector<16xf32> to vector<16xf32>
          %get3A_142 = arith.index_cast %mul3A_135 : i32 to index
          %get3A_143 = tpu.vector_load %run_scoped3A_4[%get3A_142] {strides = array<i32>} : memref<8192xf32, #tpu.memory_space<vmem>>, vector<16xf32>,
          %get3A_144 = vector.shape_cast %get3A_143 : vector<16xf32> to vector<16xf32>
          %sub3A_145 = arith.subf %get3A_141, %get3A_144 : vector<16xf32>
          %mul3A_146 = arith.constant 5.000000e-01 : f32
          %mul3A_147 = vector.broadcast %mul3A_146 : f32 to vector<16xf32>
          %mul3A_148 = arith.mulf %sub3A_145, %mul3A_147 : vector<16xf32>
          %sub3A_149 = arith.constant 5.000000e-01 : f32
          %sub3A_150 = vector.broadcast %sub3A_149 : f32 to vector<16xf32>
          %sub3A_151 = arith.subf %mul3A_148, %sub3A_150 : vector<16xf32>
          %max3A_152 = arith.constant 0.000000e+00 : f32
          %max3A_153 = vector.broadcast %max3A_152 : f32 to vector<16xf32>
          %max3A_154 = arith.maximumf %max3A_153, %sub3A_151 : vector<16xf32>
          %le3A_155 = arith.constant 5.000000e-01 : f32
          %le3A_156 = vector.broadcast %le3A_155 : f32 to vector<16xf32>
          %le3A_157 = arith.cmpf ole, %get3A_138, %le3A_156 : vector<16xf32>
          %select_n3A_158 = arith.select %le3A_157, %max3A_154, %sub3A_145 : vector<16xi1>, vector<16xf32>
          %mul3A_159 = arith.mulf %select_n3A_158, %select_n3A_158 : vector<16xf32>
          %add3A_160 = arith.addf %scan3A_101, %mul3A_159 : vector<16xf32>
          %mul3A_161 = arith.constant 8 : i32
          %mul3A_162 = arith.muli %scan3A_99, %mul3A_161 : i32
          %add3A_163 = arith.constant 2 : i32
          %add3A_164 = arith.addi %mul3A_162, %add3A_163 : i32
          %mul3A_165 = arith.constant 16 : i32
          %mul3A_166 = arith.muli %add3A_164, %mul3A_165 : i32
          %get3A_167 = arith.index_cast %mul3A_166 : i32 to index
          %get3A_168 = tpu.vector_load %run_scoped3A_2[%get3A_167] {strides = array<i32>} : memref<8192xf32, #tpu.memory_space<vmem>>, vector<16xf32>,
          %get3A_169 = vector.shape_cast %get3A_168 : vector<16xf32> to vector<16xf32>
          %get3A_170 = arith.index_cast %mul3A_166 : i32 to index
          %get3A_171 = tpu.vector_load %run_scoped3A_3[%get3A_170] {strides = array<i32>} : memref<8192xf32, #tpu.memory_space<vmem>>, vector<16xf32>,
          %get3A_172 = vector.shape_cast %get3A_171 : vector<16xf32> to vector<16xf32>
          %get3A_173 = arith.index_cast %mul3A_166 : i32 to index
          %get3A_174 = tpu.vector_load %run_scoped3A_4[%get3A_173] {strides = array<i32>} : memref<8192xf32, #tpu.memory_space<vmem>>, vector<16xf32>,
          %get3A_175 = vector.shape_cast %get3A_174 : vector<16xf32> to vector<16xf32>
          %sub3A_176 = arith.subf %get3A_172, %get3A_175 : vector<16xf32>
          %mul3A_177 = arith.constant 5.000000e-01 : f32
          %mul3A_178 = vector.broadcast %mul3A_177 : f32 to vector<16xf32>
          %mul3A_179 = arith.mulf %sub3A_176, %mul3A_178 : vector<16xf32>
          %sub3A_180 = arith.constant 5.000000e-01 : f32
          %sub3A_181 = vector.broadcast %sub3A_180 : f32 to vector<16xf32>
          %sub3A_182 = arith.subf %mul3A_179, %sub3A_181 : vector<16xf32>
          %max3A_183 = arith.constant 0.000000e+00 : f32
          %max3A_184 = vector.broadcast %max3A_183 : f32 to vector<16xf32>
          %max3A_185 = arith.maximumf %max3A_184, %sub3A_182 : vector<16xf32>
          %le3A_186 = arith.constant 5.000000e-01 : f32
          %le3A_187 = vector.broadcast %le3A_186 : f32 to vector<16xf32>
          %le3A_188 = arith.cmpf ole, %get3A_169, %le3A_187 : vector<16xf32>
          %select_n3A_189 = arith.select %le3A_188, %max3A_185, %sub3A_176 : vector<16xi1>, vector<16xf32>
          %mul3A_190 = arith.mulf %select_n3A_189, %select_n3A_189 : vector<16xf32>
          %add3A_191 = arith.addf %scan3A_102, %mul3A_190 : vector<16xf32>
          %mul3A_192 = arith.constant 8 : i32
          %mul3A_193 = arith.muli %scan3A_99, %mul3A_192 : i32
          %add3A_194 = arith.constant 3 : i32
          %add3A_195 = arith.addi %mul3A_193, %add3A_194 : i32
          %mul3A_196 = arith.constant 16 : i32
          %mul3A_197 = arith.muli %add3A_195, %mul3A_196 : i32
          %get3A_198 = arith.index_cast %mul3A_197 : i32 to index
          %get3A_199 = tpu.vector_load %run_scoped3A_2[%get3A_198] {strides = array<i32>} : memref<8192xf32, #tpu.memory_space<vmem>>, vector<16xf32>,
          %get3A_200 = vector.shape_cast %get3A_199 : vector<16xf32> to vector<16xf32>
          %get3A_201 = arith.index_cast %mul3A_197 : i32 to index
          %get3A_202 = tpu.vector_load %run_scoped3A_3[%get3A_201] {strides = array<i32>} : memref<8192xf32, #tpu.memory_space<vmem>>, vector<16xf32>,
          %get3A_203 = vector.shape_cast %get3A_202 : vector<16xf32> to vector<16xf32>
          %get3A_204 = arith.index_cast %mul3A_197 : i32 to index
          %get3A_205 = tpu.vector_load %run_scoped3A_4[%get3A_204] {strides = array<i32>} : memref<8192xf32, #tpu.memory_space<vmem>>, vector<16xf32>,
          %get3A_206 = vector.shape_cast %get3A_205 : vector<16xf32> to vector<16xf32>
          %sub3A_207 = arith.subf %get3A_203, %get3A_206 : vector<16xf32>
          %mul3A_208 = arith.constant 5.000000e-01 : f32
          %mul3A_209 = vector.broadcast %mul3A_208 : f32 to vector<16xf32>
          %mul3A_210 = arith.mulf %sub3A_207, %mul3A_209 : vector<16xf32>
          %sub3A_211 = arith.constant 5.000000e-01 : f32
          %sub3A_212 = vector.broadcast %sub3A_211 : f32 to vector<16xf32>
          %sub3A_213 = arith.subf %mul3A_210, %sub3A_212 : vector<16xf32>
          %max3A_214 = arith.constant 0.000000e+00 : f32
          %max3A_215 = vector.broadcast %max3A_214 : f32 to vector<16xf32>
          %max3A_216 = arith.maximumf %max3A_215, %sub3A_213 : vector<16xf32>
          %le3A_217 = arith.constant 5.000000e-01 : f32
          %le3A_218 = vector.broadcast %le3A_217 : f32 to vector<16xf32>
          %le3A_219 = arith.cmpf ole, %get3A_200, %le3A_218 : vector<16xf32>
          %select_n3A_220 = arith.select %le3A_219, %max3A_216, %sub3A_207 : vector<16xi1>, vector<16xf32>
          %mul3A_221 = arith.mulf %select_n3A_220, %select_n3A_220 : vector<16xf32>
          %add3A_222 = arith.addf %scan3A_103, %mul3A_221 : vector<16xf32>
          %mul3A_223 = arith.constant 8 : i32
          %mul3A_224 = arith.muli %scan3A_99, %mul3A_223 : i32
          %add3A_225 = arith.constant 4 : i32
          %add3A_226 = arith.addi %mul3A_224, %add3A_225 : i32
          %mul3A_227 = arith.constant 16 : i32
          %mul3A_228 = arith.muli %add3A_226, %mul3A_227 : i32
          %get3A_229 = arith.index_cast %mul3A_228 : i32 to index
          %get3A_230 = tpu.vector_load %run_scoped3A_2[%get3A_229] {strides = array<i32>} : memref<8192xf32, #tpu.memory_space<vmem>>, vector<16xf32>,
          %get3A_231 = vector.shape_cast %get3A_230 : vector<16xf32> to vector<16xf32>
          %get3A_232 = arith.index_cast %mul3A_228 : i32 to index
          %get3A_233 = tpu.vector_load %run_scoped3A_3[%get3A_232] {strides = array<i32>} : memref<8192xf32, #tpu.memory_space<vmem>>, vector<16xf32>,
          %get3A_234 = vector.shape_cast %get3A_233 : vector<16xf32> to vector<16xf32>
          %get3A_235 = arith.index_cast %mul3A_228 : i32 to index
          %get3A_236 = tpu.vector_load %run_scoped3A_4[%get3A_235] {strides = array<i32>} : memref<8192xf32, #tpu.memory_space<vmem>>, vector<16xf32>,
          %get3A_237 = vector.shape_cast %get3A_236 : vector<16xf32> to vector<16xf32>
          %sub3A_238 = arith.subf %get3A_234, %get3A_237 : vector<16xf32>
          %mul3A_239 = arith.constant 5.000000e-01 : f32
          %mul3A_240 = vector.broadcast %mul3A_239 : f32 to vector<16xf32>
          %mul3A_241 = arith.mulf %sub3A_238, %mul3A_240 : vector<16xf32>
          %sub3A_242 = arith.constant 5.000000e-01 : f32
          %sub3A_243 = vector.broadcast %sub3A_242 : f32 to vector<16xf32>
          %sub3A_244 = arith.subf %mul3A_241, %sub3A_243 : vector<16xf32>
          %max3A_245 = arith.constant 0.000000e+00 : f32
          %max3A_246 = vector.broadcast %max3A_245 : f32 to vector<16xf32>
          %max3A_247 = arith.maximumf %max3A_246, %sub3A_244 : vector<16xf32>
          %le3A_248 = arith.constant 5.000000e-01 : f32
          %le3A_249 = vector.broadcast %le3A_248 : f32 to vector<16xf32>
          %le3A_250 = arith.cmpf ole, %get3A_231, %le3A_249 : vector<16xf32>
          %select_n3A_251 = arith.select %le3A_250, %max3A_247, %sub3A_238 : vector<16xi1>, vector<16xf32>
          %mul3A_252 = arith.mulf %select_n3A_251, %select_n3A_251 : vector<16xf32>
          %add3A_253 = arith.addf %add3A_129, %mul3A_252 : vector<16xf32>
          %mul3A_254 = arith.constant 8 : i32
          %mul3A_255 = arith.muli %scan3A_99, %mul3A_254 : i32
          %add3A_256 = arith.constant 5 : i32
          %add3A_257 = arith.addi %mul3A_255, %add3A_256 : i32
          %mul3A_258 = arith.constant 16 : i32
          %mul3A_259 = arith.muli %add3A_257, %mul3A_258 : i32
          %get3A_260 = arith.index_cast %mul3A_259 : i32 to index
          %get3A_261 = tpu.vector_load %run_scoped3A_2[%get3A_260] {strides = array<i32>} : memref<8192xf32, #tpu.memory_space<vmem>>, vector<16xf32>,
          %get3A_262 = vector.shape_cast %get3A_261 : vector<16xf32> to vector<16xf32>
          %get3A_263 = arith.index_cast %mul3A_259 : i32 to index
          %get3A_264 = tpu.vector_load %run_scoped3A_3[%get3A_263] {strides = array<i32>} : memref<8192xf32, #tpu.memory_space<vmem>>, vector<16xf32>,
          %get3A_265 = vector.shape_cast %get3A_264 : vector<16xf32> to vector<16xf32>
          %get3A_266 = arith.index_cast %mul3A_259 : i32 to index
          %get3A_267 = tpu.vector_load %run_scoped3A_4[%get3A_266] {strides = array<i32>} : memref<8192xf32, #tpu.memory_space<vmem>>, vector<16xf32>,
          %get3A_268 = vector.shape_cast %get3A_267 : vector<16xf32> to vector<16xf32>
          %sub3A_269 = arith.subf %get3A_265, %get3A_268 : vector<16xf32>
          %mul3A_270 = arith.constant 5.000000e-01 : f32
          %mul3A_271 = vector.broadcast %mul3A_270 : f32 to vector<16xf32>
          %mul3A_272 = arith.mulf %sub3A_269, %mul3A_271 : vector<16xf32>
          %sub3A_273 = arith.constant 5.000000e-01 : f32
          %sub3A_274 = vector.broadcast %sub3A_273 : f32 to vector<16xf32>
          %sub3A_275 = arith.subf %mul3A_272, %sub3A_274 : vector<16xf32>
          %max3A_276 = arith.constant 0.000000e+00 : f32
          %max3A_277 = vector.broadcast %max3A_276 : f32 to vector<16xf32>
          %max3A_278 = arith.maximumf %max3A_277, %sub3A_275 : vector<16xf32>
          %le3A_279 = arith.constant 5.000000e-01 : f32
          %le3A_280 = vector.broadcast %le3A_279 : f32 to vector<16xf32>
          %le3A_281 = arith.cmpf ole, %get3A_262, %le3A_280 : vector<16xf32>
          %select_n3A_282 = arith.select %le3A_281, %max3A_278, %sub3A_269 : vector<16xi1>, vector<16xf32>
          %mul3A_283 = arith.mulf %select_n3A_282, %select_n3A_282 : vector<16xf32>
          %add3A_284 = arith.addf %add3A_160, %mul3A_283 : vector<16xf32>
          %mul3A_285 = arith.constant 8 : i32
          %mul3A_286 = arith.muli %scan3A_99, %mul3A_285 : i32
          %add3A_287 = arith.constant 6 : i32
          %add3A_288 = arith.addi %mul3A_286, %add3A_287 : i32
          %mul3A_289 = arith.constant 16 : i32
          %mul3A_290 = arith.muli %add3A_288, %mul3A_289 : i32
          %get3A_291 = arith.index_cast %mul3A_290 : i32 to index
          %get3A_292 = tpu.vector_load %run_scoped3A_2[%get3A_291] {strides = array<i32>} : memref<8192xf32, #tpu.memory_space<vmem>>, vector<16xf32>,
          %get3A_293 = vector.shape_cast %get3A_292 : vector<16xf32> to vector<16xf32>
          %get3A_294 = arith.index_cast %mul3A_290 : i32 to index
          %get3A_295 = tpu.vector_load %run_scoped3A_3[%get3A_294] {strides = array<i32>} : memref<8192xf32, #tpu.memory_space<vmem>>, vector<16xf32>,
          %get3A_296 = vector.shape_cast %get3A_295 : vector<16xf32> to vector<16xf32>
          %get3A_297 = arith.index_cast %mul3A_290 : i32 to index
          %get3A_298 = tpu.vector_load %run_scoped3A_4[%get3A_297] {strides = array<i32>} : memref<8192xf32, #tpu.memory_space<vmem>>, vector<16xf32>,
          %get3A_299 = vector.shape_cast %get3A_298 : vector<16xf32> to vector<16xf32>
          %sub3A_300 = arith.subf %get3A_296, %get3A_299 : vector<16xf32>
          %mul3A_301 = arith.constant 5.000000e-01 : f32
          %mul3A_302 = vector.broadcast %mul3A_301 : f32 to vector<16xf32>
          %mul3A_303 = arith.mulf %sub3A_300, %mul3A_302 : vector<16xf32>
          %sub3A_304 = arith.constant 5.000000e-01 : f32
          %sub3A_305 = vector.broadcast %sub3A_304 : f32 to vector<16xf32>
          %sub3A_306 = arith.subf %mul3A_303, %sub3A_305 : vector<16xf32>
          %max3A_307 = arith.constant 0.000000e+00 : f32
          %max3A_308 = vector.broadcast %max3A_307 : f32 to vector<16xf32>
          %max3A_309 = arith.maximumf %max3A_308, %sub3A_306 : vector<16xf32>
          %le3A_310 = arith.constant 5.000000e-01 : f32
          %le3A_311 = vector.broadcast %le3A_310 : f32 to vector<16xf32>
          %le3A_312 = arith.cmpf ole, %get3A_293, %le3A_311 : vector<16xf32>
          %select_n3A_313 = arith.select %le3A_312, %max3A_309, %sub3A_300 : vector<16xi1>, vector<16xf32>
          %mul3A_314 = arith.mulf %select_n3A_313, %select_n3A_313 : vector<16xf32>
          %add3A_315 = arith.addf %add3A_191, %mul3A_314 : vector<16xf32>
          %mul3A_316 = arith.constant 8 : i32
          %mul3A_317 = arith.muli %scan3A_99, %mul3A_316 : i32
          %add3A_318 = arith.constant 7 : i32
          %add3A_319 = arith.addi %mul3A_317, %add3A_318 : i32
          %mul3A_320 = arith.constant 16 : i32
          %mul3A_321 = arith.muli %add3A_319, %mul3A_320 : i32
          %get3A_322 = arith.index_cast %mul3A_321 : i32 to index
          %get3A_323 = tpu.vector_load %run_scoped3A_2[%get3A_322] {strides = array<i32>} : memref<8192xf32, #tpu.memory_space<vmem>>, vector<16xf32>,
          %get3A_324 = vector.shape_cast %get3A_323 : vector<16xf32> to vector<16xf32>
          %get3A_325 = arith.index_cast %mul3A_321 : i32 to index
          %get3A_326 = tpu.vector_load %run_scoped3A_3[%get3A_325] {strides = array<i32>} : memref<8192xf32, #tpu.memory_space<vmem>>, vector<16xf32>,
          %get3A_327 = vector.shape_cast %get3A_326 : vector<16xf32> to vector<16xf32>
          %get3A_328 = arith.index_cast %mul3A_321 : i32 to index
          %get3A_329 = tpu.vector_load %run_scoped3A_4[%get3A_328] {strides = array<i32>} : memref<8192xf32, #tpu.memory_space<vmem>>, vector<16xf32>,
          %get3A_330 = vector.shape_cast %get3A_329 : vector<16xf32> to vector<16xf32>
          %sub3A_331 = arith.subf %get3A_327, %get3A_330 : vector<16xf32>
          %mul3A_332 = arith.constant 5.000000e-01 : f32
          %mul3A_333 = vector.broadcast %mul3A_332 : f32 to vector<16xf32>
          %mul3A_334 = arith.mulf %sub3A_331, %mul3A_333 : vector<16xf32>
          %sub3A_335 = arith.constant 5.000000e-01 : f32
          %sub3A_336 = vector.broadcast %sub3A_335 : f32 to vector<16xf32>
          %sub3A_337 = arith.subf %mul3A_334, %sub3A_336 : vector<16xf32>
          %max3A_338 = arith.constant 0.000000e+00 : f32
          %max3A_339 = vector.broadcast %max3A_338 : f32 to vector<16xf32>
          %max3A_340 = arith.maximumf %max3A_339, %sub3A_337 : vector<16xf32>
          %le3A_341 = arith.constant 5.000000e-01 : f32
          %le3A_342 = vector.broadcast %le3A_341 : f32 to vector<16xf32>
          %le3A_343 = arith.cmpf ole, %get3A_324, %le3A_342 : vector<16xf32>
          %select_n3A_344 = arith.select %le3A_343, %max3A_340, %sub3A_331 : vector<16xi1>, vector<16xf32>
          %mul3A_345 = arith.mulf %select_n3A_344, %select_n3A_344 : vector<16xf32>
          %add3A_346 = arith.addf %add3A_222, %mul3A_345 : vector<16xf32>
          scf.yield %add3A_253, %add3A_284, %add3A_315, %add3A_346 : vector<16xf32>, vector<16xf32>, vector<16xf32>, vector<16xf32>
        }
        %scan3A_91 = arith.constant 64 : i32
        %add3A_92 = arith.constant 2 : i32
        %add3A_93 = arith.addi %add3A_73, %add3A_92 : i32
        %lt3A_94 = arith.constant 6 : i32
        %lt3A_95 = arith.cmpi slt, %add3A_93, %lt3A_94 : i32
        %convert_element_type3A_96 = arith.extui %lt3A_95 : i1 to i32
        %cond3A_97 = arith.constant 0 : i32
        %cond3A_98 = arith.cmpi ne, %convert_element_type3A_96, %cond3A_97 : i32
        scf.if %cond3A_98 {
          %add3A_99 = arith.constant 2 : i32
          %add3A_100 = arith.addi %add3A_73, %add3A_99 : i32
          %mul3A_101 = arith.constant 8192 : i32
          %mul3A_102 = arith.muli %add3A_100, %mul3A_101 : i32
          %add3A_103 = arith.addi %mul3A_10, %mul3A_102 : i32
          %dma_start3A_104 = tpu.memref_slice %arg2[%add3A_103] : memref<4194304xf32, #tpu.memory_space<hbm>> -> memref<8192xf32, #tpu.memory_space<hbm>>
          %dma_start3A_105 = tpu.memref_slice %arg2[%add3A_103] : memref<4194304xf32, #tpu.memory_space<hbm>> -> memref<8192xf32, #tpu.memory_space<hbm>>
          tpu.enqueue_dma source(%dma_start3A_105 : memref<8192xf32, #tpu.memory_space<hbm>>) target(%run_scoped3A_2 : memref<8192xf32, #tpu.memory_space<vmem>>) target_semaphore(%run_scoped3A_7 : memref<!tpu.dma_semaphore, #tpu.memory_space<semaphore_mem>>)
          %dma_start3A_106 = tpu.memref_slice %arg3[%add3A_103] : memref<4194304xf32, #tpu.memory_space<hbm>> -> memref<8192xf32, #tpu.memory_space<hbm>>
          %dma_start3A_107 = tpu.memref_slice %arg3[%add3A_103] : memref<4194304xf32, #tpu.memory_space<hbm>> -> memref<8192xf32, #tpu.memory_space<hbm>>
          tpu.enqueue_dma source(%dma_start3A_107 : memref<8192xf32, #tpu.memory_space<hbm>>) target(%run_scoped3A_3 : memref<8192xf32, #tpu.memory_space<vmem>>) target_semaphore(%run_scoped3A_7 : memref<!tpu.dma_semaphore, #tpu.memory_space<semaphore_mem>>)
          %dma_start3A_108 = tpu.memref_slice %arg4[%add3A_103] : memref<4194304xf32, #tpu.memory_space<hbm>> -> memref<8192xf32, #tpu.memory_space<hbm>>
          %dma_start3A_109 = tpu.memref_slice %arg4[%add3A_103] : memref<4194304xf32, #tpu.memory_space<hbm>> -> memref<8192xf32, #tpu.memory_space<hbm>>
          tpu.enqueue_dma source(%dma_start3A_109 : memref<8192xf32, #tpu.memory_space<hbm>>) target(%run_scoped3A_4 : memref<8192xf32, #tpu.memory_space<vmem>>) target_semaphore(%run_scoped3A_7 : memref<!tpu.dma_semaphore, #tpu.memory_space<semaphore_mem>>)
        } else {
        }
        scf.yield %scan3A_90#0, %scan3A_90#1, %scan3A_90#2, %scan3A_90#3 : vector<16xf32>, vector<16xf32>, vector<16xf32>, vector<16xf32>
      }
      %scan3A_31 = arith.constant 3 : i32
      %add3A_32 = arith.addf %scan3A_30#0, %scan3A_30#1 : vector<16xf32>
      %add3A_33 = arith.addf %add3A_32, %scan3A_30#2 : vector<16xf32>
      %add3A_34 = arith.addf %add3A_33, %scan3A_30#3 : vector<16xf32>
      %swap3A = arith.constant 0 : index
      %swap3A_35 = tpu.vector_load %run_scoped3A_5[%swap3A] {strides = array<i32>} : memref<16xf32, #tpu.memory_space<vmem>>, vector<16xf32>,
      %swap3A_36 = vector.shape_cast %swap3A_35 : vector<16xf32> to vector<16xf32>
      %swap3A_37 = vector.shape_cast %add3A_34 : vector<16xf32> to vector<16xf32>
      tpu.vector_store %run_scoped3A_5[%swap3A], %swap3A_37 {strides = array<i32>} : memref<16xf32, #tpu.memory_space<vmem>>, vector<16xf32>,
      %mul3A_38 = arith.constant 16 : i32
      %mul3A_39 = arith.muli %add3A, %mul3A_38 : i32
      "tpu.region"() ({
        %run_scoped3A_40 = tpu.sem_alloc : memref<!tpu.dma_semaphore, #tpu.memory_space<semaphore_mem>>
        %dma_start3A_41 = tpu.memref_slice %arg5[%mul3A_39] : memref<512xf32, #tpu.memory_space<hbm>> -> memref<16xf32, #tpu.memory_space<hbm>>
        %dma_start3A_42 = tpu.memref_slice %arg5[%mul3A_39] : memref<512xf32, #tpu.memory_space<hbm>> -> memref<16xf32, #tpu.memory_space<hbm>>
        tpu.enqueue_dma source(%run_scoped3A_5 : memref<16xf32, #tpu.memory_space<vmem>>) target(%dma_start3A_42 : memref<16xf32, #tpu.memory_space<hbm>>) target_semaphore(%run_scoped3A_40 : memref<!tpu.dma_semaphore, #tpu.memory_space<semaphore_mem>>)
        %dma_wait3A = tpu.memref_slice %arg5[%mul3A_39] : memref<512xf32, #tpu.memory_space<hbm>> -> memref<16xf32, #tpu.memory_space<hbm>>
        %dma_wait3A_43 = tpu.memref_slice %arg5[%mul3A_39] : memref<512xf32, #tpu.memory_space<hbm>> -> memref<16xf32, #tpu.memory_space<hbm>>
        tpu.wait_dma2 semaphore(%run_scoped3A_40 : memref<!tpu.dma_semaphore, #tpu.memory_space<semaphore_mem>>) src(%run_scoped3A_5 : memref<16xf32, #tpu.memory_space<vmem>>) dst(%dma_wait3A_43 : memref<16xf32, #tpu.memory_space<hbm>>)
        tpu.yield
      }) : () -> ()
      tpu.yield
    }) : () -> ()
    return
  }
}

module attributes {stable_mosaic.version = 14 : i64} {
  func.func @_tc_block(%arg0: i32, %arg1: memref<524288xf32, #tpu.memory_space<vmem>>, %arg2: memref<524288xf32, #tpu.memory_space<vmem>>, %arg3: memref<524288xf32, #tpu.memory_space<vmem>>, %arg4: memref<8x128xf32, #tpu.memory_space<vmem>>) attributes {dimension_semantics = [#tpu.dimension_semantics<arbitrary>], iteration_bounds = array<i64: 5>, scalar_prefetch = 0 : i64, scratch_operands = 0 : i64, tpu.core_type = #tpu.core_type<tc>, window_params = [{transform_indices = @transform_0, window_bounds = array<i64: 524288>}, {transform_indices = @transform_1, window_bounds = array<i64: 524288>}, {transform_indices = @transform_2, window_bounds = array<i64: 524288>}, {pipeline_mode = #tpu.pipeline_mode<synchronous>, transform_indices = @transform_3, window_bounds = array<i64: 8, 128>}]} {
    %eq3A = arith.constant 0 : i32
    %eq3A_0 = arith.cmpi eq, %arg0, %eq3A : i32
    %convert_element_type3A = arith.extui %eq3A_0 : i1 to i32
    %cond3A = arith.constant 0 : i32
    %cond3A_1 = arith.cmpi ne, %convert_element_type3A, %cond3A : i32
    scf.if %cond3A_1 {
      %broadcast_in_dim3A = arith.constant 0.000000e+00 : f32
      %broadcast_in_dim3A_23 = vector.broadcast %broadcast_in_dim3A : f32 to vector<8x128xf32>
      %swap3A_24 = arith.constant 0 : index
      %swap3A_25 = arith.constant 0 : index
      %swap3A_26 = vector.load %arg4[%swap3A_24, %swap3A_25] : memref<8x128xf32, #tpu.memory_space<vmem>>, vector<8x128xf32>
      tpu.vector_store %arg4[%swap3A_24, %swap3A_25], %broadcast_in_dim3A_23 {strides = array<i32>} : memref<8x128xf32, #tpu.memory_space<vmem>>, vector<8x128xf32>,
    } else {
    }
    %get3A = arith.constant 0 : index
    %get3A_2 = vector.load %arg2[%get3A] : memref<524288xf32, #tpu.memory_space<vmem>>, vector<524288xf32>
    %get3A_3 = arith.constant 0 : index
    %get3A_4 = vector.load %arg3[%get3A_3] : memref<524288xf32, #tpu.memory_space<vmem>>, vector<524288xf32>
    %sub3A = arith.subf %get3A_2, %get3A_4 : vector<524288xf32>
    %mul3A = arith.constant 5.000000e-01 : f32
    %mul3A_5 = vector.broadcast %mul3A : f32 to vector<524288xf32>
    %mul3A_6 = arith.mulf %sub3A, %mul3A_5 : vector<524288xf32>
    %sub3A_7 = arith.constant 5.000000e-01 : f32
    %sub3A_8 = vector.broadcast %sub3A_7 : f32 to vector<524288xf32>
    %sub3A_9 = arith.subf %mul3A_6, %sub3A_8 : vector<524288xf32>
    %max3A = arith.constant 0.000000e+00 : f32
    %max3A_10 = vector.broadcast %max3A : f32 to vector<524288xf32>
    %max3A_11 = arith.maximumf %max3A_10, %sub3A_9 : vector<524288xf32>
    %get3A_12 = arith.constant 0 : index
    %get3A_13 = vector.load %arg1[%get3A_12] : memref<524288xf32, #tpu.memory_space<vmem>>, vector<524288xf32>
    %le3A = arith.constant 5.000000e-01 : f32
    %le3A_14 = vector.broadcast %le3A : f32 to vector<524288xf32>
    %le3A_15 = arith.cmpf ole, %get3A_13, %le3A_14 : vector<524288xf32>
    %select_n3A = arith.select %le3A_15, %max3A_11, %sub3A : vector<524288xi1>, vector<524288xf32>
    %mul3A_16 = arith.mulf %select_n3A, %select_n3A : vector<524288xf32>
    %reshape3A = vector.shape_cast %mul3A_16 : vector<524288xf32> to vector<512x8x128xf32>
    %get3A_17 = arith.constant 0 : index
    %get3A_18 = arith.constant 0 : index
    %get3A_19 = vector.load %arg4[%get3A_17, %get3A_18] : memref<8x128xf32, #tpu.memory_space<vmem>>, vector<8x128xf32>
    %reduce_sum3A = arith.constant dense<0.000000e+00> : vector<8x128xf32>
    %reduce_sum3A_20 = vector.multi_reduction <add>, %reshape3A, %reduce_sum3A [0] : vector<512x8x128xf32> to vector<8x128xf32>
    %add3A = arith.addf %get3A_19, %reduce_sum3A_20 : vector<8x128xf32>
    %swap3A = arith.constant 0 : index
    %swap3A_21 = arith.constant 0 : index
    %swap3A_22 = vector.load %arg4[%swap3A, %swap3A_21] : memref<8x128xf32, #tpu.memory_space<vmem>>, vector<8x128xf32>
    tpu.vector_store %arg4[%swap3A, %swap3A_21], %add3A {strides = array<i32>} : memref<8x128xf32, #tpu.memory_space<vmem>>, vector<8x128xf32>,
    return
  }
  func.func @transform_0(%arg0: i32) -> i32 {
    %add3A = arith.constant 3 : i32
    %add3A_0 = arith.addi %arg0, %add3A : i32
    %c0_i32 = arith.constant 0 : i32
    return %add3A_0 : i32
  }
  func.func @transform_1(%arg0: i32) -> i32 {
    %add3A = arith.constant 3 : i32
    %add3A_0 = arith.addi %arg0, %add3A : i32
    %c0_i32 = arith.constant 0 : i32
    return %add3A_0 : i32
  }
  func.func @transform_2(%arg0: i32) -> i32 {
    %add3A = arith.constant 3 : i32
    %add3A_0 = arith.addi %arg0, %add3A : i32
    %c0_i32 = arith.constant 0 : i32
    return %add3A_0 : i32
  }
  func.func @transform_3(%arg0: i32) -> (i32, i32) {
    %c0_i32 = arith.constant 0 : i32
    %c0_i32_0 = arith.constant 0 : i32
    %c0_i32_1 = arith.constant 0 : i32
    return %c0_i32, %c0_i32_0 : i32, i32
  }
}

</mosaic_0001>

<sc_bundles>
// kernel: kernel.4.cloned.1.call-start
scs
__scs_entry_jumppad:
0x0: {  	(pc) =	sbr.rel $0x88, $3  }
0x1: {  	(tag) =	ssettag $0x0;
	lr =	simm.s32 $0x1  }
0x2: {  	[smem:$0x3F9E] =	sst lr;
	_ =	strace $0xD0000000  }
0x3: {  	_ = 	snop  }
0x4: {  	_ = 	snop  }
0x5: {  	_ = 	snop  }
0x6: {  	_ = 	snop  }
0x7: {  	_ = 	snop  }
__scs_overlays_trampoline_lowered:
0x8: {  	[smem:$0x3FAD] =	sst s0  }
0x9: {  	[smem:$0x3FAE] =	sst s1  }
0xa: {  	[smem:$0x3FAF] =	sst s2  }
0xb: {  	[smem:$0x3FB0] =	sst s3  }
0xc: {  	[smem:$0x3FB1] =	sst s4  }
0xd: {  	[smem:$0x3FB2] =	sst s5  }
0xe: {  	[smem:$0x3FB3] =	sst s6  }
0xf: {  	[smem:$0x3FB4] =	sst s7  }
0x10: {  	[smem:$0x3FB5] =	sst s8  }
0x11: {  	[smem:$0x3FB6] =	sst s9;
	s0 =	simm.s32 @!p0 $0x0  }
0x12: {  	s1 =	sld [smem:$0x3F9C];
	s0 =	simm.s32 @p0 $0x1  }
0x13: {  	[smem:$0x3FB7] =	sst s0;
	s0 =	simm.s32 @!p1 $0x0  }
0x14: {  	s2 =	sld [smem:$0x3F9B];
	s0 =	simm.s32 @p1 $0x1  }
0x15: {  	[smem:$0x3FB8] =	sst s0;
	s0 =	simm.s32 @!p2 $0x0  }
0x16: {  	s3 =	sld [smem:$0x3FDB];
	s0 =	simm.s32 @p2 $0x1  }
0x17: {  	s4 =	simm.s32 $0x1BF5;
	[smem:$0x3FBA] =	sst s0  }
0x18: {  	s0 =	sld [smem:$0x3F9D];
	_ =	swait.ge [sflag:s4], $0x0  }
0x19: {  	s7 =	sld [smem:$0x3F9E]  }
0x1a: {  	s8 =	sadd.s32 $0xFFFFE003, lr  }
0x1b: {  	s9 =	sadd.s32 $0xFFFFFEF7, lr;
	s5 =	simm.s32 $0xFFFFFFFF;
	p2 =	slt.u32 s8, $0xFFFFF086  }
0x1c: {  	p1 =	slt.u32 s9, $0xF7A;
	s5 =	simm.s32 @!p2 $0x0  }
0x1d: {  	s5 =	simm.s32 @p1 $0x1;
	p0 =	seq.s32 s7, s2  }
0x1e: {  	s7 =	smul.u32 @!p0 $0xF7A, s2;
	p2 =	seq.s32 @!p0 s5, $0x0  }
0x1f: {  	s9 =	smul.u32 $0xF7A, s1;
	s8 =	simm.s32 @!p0 $0x1BF5;
	p2 =	por !p2, p0  }
0x20: {  	[sflag:s8] =	ssyncset.s32 @!p0 $0xFFFFF086;
	s6 =	sadd.s32 @!p0 s3, s7;
	s7 =	simm.s32 @!p0 $0x108  }
0x21: {  	s3 =	sadd.s32 s3, s9;
	s6 =	sadd.s32 @!p0 $0x88, s6;
	s7 =	simm.s32 @p2 $0x1082  }
0x22: {  	[simem:s7], [sflag:s8] =	dma.local @!p0 [hbm:s6], $0xF7A  }
0x23: {  	s9 =	sor.u32 $0xD0000000, s2;
	s6 =	simm.s32 $0x108;
	_ =	swait.ge @!p0 [sflag:s8], $0x0  }
0x24: {  	s3 =	sadd.s32 $0x88, s3;
	s6 =	simm.s32 @!p1 $0x1082;
	[sflag:s4] =	ssyncset.s32 $0xFFFFF086  }
0x25: {  	[simem:s6], [sflag:s4] =	dma.local [hbm:s3], $0xF7A  }
0x26: {  	[smem:$0x3F9E] =	sst s1;
	(tag) =	ssettag s2;
	_ =	strace s9  }
0x27: {  	s1 =	sld [smem:$0x3FAE]  }
0x28: {  	s2 =	sld [smem:$0x3FAF]  }
0x29: {  	s4 =	sld [smem:$0x3FB1]  }
0x2a: {  	p0 =	seq.s32 s5, $0x0;
	s5 =	sld [smem:$0x3FB2]  }
0x2b: {  	s6 =	sld [smem:$0x3FB3]  }
0x2c: {  	s7 =	sld [smem:$0x3FB4]  }
0x2d: {  	s3 =	simm.s32 $0x108;
	s8 =	sld [smem:$0x3FB5]  }
0x2e: {  	s3 =	simm.s32 @!p0 $0x1082;
	s9 =	sld [smem:$0x3FB6]  }
0x2f: {  	lr =	sadd.s32 s0, s3;
	s0 =	sld [smem:$0x3FAD]  }
0x30: {  	s3 =	sld [smem:$0x3FB0]  }
0x31: {  	[smem:$0x3FB9] =	sst s10  }
0x32: {  	s10 =	sld [smem:$0x3FB7];
	_ =	sdelay $0x3  }
0x33: {  	p0 =	seq.s32 s10, $0x1;
	s10 =	sld [smem:$0x3FB9];
	_ =	sdelay $0x3  }
0x34: {  	[smem:$0x3FB9] =	sst s10  }
0x35: {  	s10 =	sld [smem:$0x3FB8];
	_ =	sdelay $0x3  }
0x36: {  	p1 =	seq.s32 s10, $0x1;
	s10 =	sld [smem:$0x3FB9];
	_ =	sdelay $0x3  }
0x37: {  	[smem:$0x3FB9] =	sst s10  }
0x38: {  	s10 =	sld [smem:$0x3FBA]  }
0x39: {  	_ = 	snop;
	(pc) =	sbr.ind lr, $3  }
0x3a: {  	_ = 	snop  }
0x3b: {  	_ = 	snop  }
0x3c: {  	p2 =	seq.s32 s10, $0x1;
	s10 =	sld [smem:$0x3FB9]  }
0x3d: {  	_ =	shalt  }
0x3e: {  	_ =	shalt  }
0x3f: {  	_ =	shalt  }
0x40: {  	_ =	shalt  }
0x41: {  	_ =	shalt  }
0x42: {  	_ =	shalt  }
0x43: {  	_ =	shalt  }
0x44: {  	_ =	shalt  }
0x45: {  	_ =	shalt  }
0x46: {  	_ =	shalt  }
0x47: {  	_ =	shalt  }
0x48: {  	_ =	shalt  }
0x49: {  	_ =	shalt  }
0x4a: {  	_ =	shalt  }
0x4b: {  	_ =	shalt  }
0x4c: {  	_ =	shalt  }
0x4d: {  	_ =	shalt  }
0x4e: {  	_ =	shalt  }
0x4f: {  	_ =	shalt  }
0x50: {  	_ =	shalt  }
0x51: {  	_ =	shalt  }
0x52: {  	_ =	shalt  }
0x53: {  	_ =	shalt  }
0x54: {  	_ =	shalt  }
0x55: {  	_ =	shalt  }
0x56: {  	_ =	shalt  }
0x57: {  	_ =	shalt  }
0x58: {  	_ =	shalt  }
0x59: {  	_ =	shalt  }
0x5a: {  	_ =	shalt  }
0x5b: {  	_ =	shalt  }
0x5c: {  	_ =	shalt  }
0x5d: {  	_ =	shalt  }
0x5e: {  	_ =	shalt  }
0x5f: {  	_ =	shalt  }
0x60: {  	_ =	shalt  }
0x61: {  	_ =	shalt  }
0x62: {  	_ =	shalt  }
0x63: {  	_ =	shalt  }
0x64: {  	_ =	shalt  }
0x65: {  	_ =	shalt  }
0x66: {  	_ =	shalt  }
0x67: {  	_ =	shalt  }
0x68: {  	_ =	shalt  }
0x69: {  	_ =	shalt  }
0x6a: {  	_ =	shalt  }
0x6b: {  	_ =	shalt  }
0x6c: {  	_ =	shalt  }
0x6d: {  	_ =	shalt  }
0x6e: {  	_ =	shalt  }
0x6f: {  	_ =	shalt  }
0x70: {  	_ =	shalt  }
0x71: {  	_ =	shalt  }
0x72: {  	_ =	shalt  }
0x73: {  	_ =	shalt  }
0x74: {  	_ =	shalt  }
0x75: {  	_ =	shalt  }
0x76: {  	_ =	shalt  }
0x77: {  	_ =	shalt  }
0x78: {  	_ =	shalt  }
0x79: {  	_ =	shalt  }
0x7a: {  	_ =	shalt  }
0x7b: {  	_ =	shalt  }
0x7c: {  	_ =	shalt  }
0x7d: {  	_ =	shalt  }
0x7e: {  	_ =	shalt  }
0x7f: {  	_ =	shalt  }
0x80: {  	_ =	shalt  }
0x81: {  	_ =	shalt  }
0x82: {  	_ =	shalt  }
0x83: {  	_ =	shalt  }
0x84: {  	_ =	shalt  }
0x85: {  	_ =	shalt  }
0x86: {  	_ =	shalt  }
0x87: {  	_ =	shalt  }
.Lfunc_end0:
.L_simem_size_0:
called_computation_lowered:
.L_overlay_start_0:
0x88: {  	s2 =	sld [smem:$0x3FD9]  }
0x89: {  	s3 =	sld [smem:$0x3FFE];
	_ =	sdelay $0x1  }
0x8a: {  	s1 =	srdreg.scid  }
0x8b: {  	s0 =	sand.u32 $0x1, s1  }
0x8c: {  	s17 =	sshll.u32 s0, $0xA;
	s2 =	sadd.s32 s3, s2  }
0x8d: {  	s2 =	sadd.s32 s2, s17  }
0x8e: {  	[smem:$0x3FC5] =	sst s2  }
0x8f: {  	_ = 	snop  }
0x90: {  	s2 =	sld [smem:$0x3FC9]  }
0x91: {  	s18 =	sld [smem:$0x3FC8]  }
0x92: {  	s4 =	sld [smem:$0x3FC7];
	(tm) =	ssettm $0x1  }
0x93: {  	s5 =	sld [smem:$0x3FFB];
	_ =	sdelay $0x3  }
0x94: {  	_ =	strace s5  }
0x95: {  	s5 =	sld [smem:$0x3FFC];
	_ =	sdelay $0x3  }
0x96: {  	_ =	strace s5  }
0x97: {  	s5 =	sld [smem:$0x3FFD];
	_ =	sdelay $0x3  }
0x98: {  	_ =	strace s5  }
0x99: {  	_ =	strace $0x8FFFFFFF  }
0x9a: {  	s19 =	sld [smem:$0x3FDB];
	_ =	sdelay $0x1  }
0x9b: {  	s6 =	simm.s32 $_scs_section_size  }
0x9c: {  	s7 =	simm.s32 $_size__tile_overlayer_lowered;
	s8 =	simm.s32 $_tile_overlayer_lowered  }
0x9d: {  	s22 =	simm.s32 $0x1BFF;
	s21 =	sshll.u32 s8, $0x1;
	s5 =	sadd.s32 s6, s19  }
0x9e: {  	s9 =	simm.s32 $0x0;
	s20 =	sshll.u32 s7, $0x1;
	s7 =	sadd.s32 s21, s5  }
0x9f: {  	[timem:s9], [sflag:s22] =	dma.local [hbm:s7], s20  }
0xa0: {  	_ =	swait.ge [sflag:s22], s20  }
0xa1: {  	s6 =	ssub.s32 $0x0, s20;
	[sflag:s22] =	ssyncset.done $0x0  }
0xa2: {  	[sflag:s22] =	ssyncadd.s32 s6;
	_ =	sdelay $0x1  }
0xa3: {  	s23 =	simm.s32 $0x1B8B  }
0xa4: {  	_ =	swait.ge [sflag:s23], $0x1  }
0xa5: {  	[sflag:s23] =	ssyncset.done $0x0  }
0xa6: {  	s25 =	simm.s32 $0x1B8E;
	s24 =	sld [smem:$0x3FFE];
	[sflag:s23] =	ssyncadd.s32 $0xFFFFFFFF  }
0xa7: {  	s26 =	simm.s32 $execute0_lowered;
	[smem:$0x3FD2] =	sst s25  }
0xa8: {  	s7 =	sshll.u32 s26, $0x1;
	_ =	strace $0x80000046;
	[dreg:$0x1] =	wrdreg $0xFFFFFFFF  }
0xa9: {  	s28 =	simm.s32 $_size_execute0_lowered;
	s5 =	sadd.s32 s5, s7;
	[dreg:$0x0] =	wrdreg $0x0  }
0xaa: {  	s7 =	sshll.u32 s28, $0x1;
	[dreg:$0x2] =	wrdreg s5  }
0xab: {  	[dreg:$0x3] =	wrdreg s7  }
0xac: {  	[dreg:$0x4] =	wrdreg $0xC0  }
0xad: {  	_ =	task [dreg:s9], $0x5FFFF  }
0xae: {  	[dreg:$0x1] =	wrdreg $0xFFFFFFFF  }
0xaf: {  	[dreg:$0x0] =	wrdreg $0x60  }
0xb0: {  	[dreg:$0x2] =	wrdreg s2  }
0xb1: {  	[dreg:$0x3] =	wrdreg s18  }
0xb2: {  	[dreg:$0x4] =	wrdreg s4  }
0xb3: {  	[dreg:$0x5] =	wrdreg s24  }
0xb4: {  	[dreg:$0x6] =	wrdreg $0x9  }
0xb5: {  	_ =	task.clear_ibuf [dreg:s9], $0x7FFFF;
	_ =	strace $0x90000046  }
0xb6: {  	s29 =	simm.s32 $0x9;
	_ =	strace $0x80000048  }
0xb7: {  	_ =	swait.ge [sflag:s29], $0x1  }
0xb8: {  	[sflag:s29] =	ssyncadd.s32 $0xFFFFFFFF  }
0xb9: {  	_ =	strace $0x90000048  }
0xba: {  	_ =	sfence  }
0xbb: {  	s30 =	sld [smem:$0x0];
	_ =	sdelay $0x2  }
0xbc: {  	s31 =	sshll.u32 s1, $0xD;
	s1 =	sshrl.u32 s1, $0x2  }
0xbd: {  	s3 =	sand.u32 $0x4000, s31;
	s1 =	sadd.s32 s1, s30  }
0xbe: {  	s0 =	sor.u32 s3, s0;
	s1 =	sshll.u32 s1, $0x11  }
0xbf: {  	s0 =	sor.u32 s1, s0  }
0xc0: {  	s0 =	sadd.s32 $0x8F2B, s0  }
0xc1: {  	[sflag:s0] =	ssyncadd.remote.s32 $0x1  }
0xc2: {  	_ =	sfence.sel $0xFFFF  }
0xc3: {  	[dreg:$0x0] =	wrdreg $0xFFFFFFFF;
	(pc) =	sbr.abs _section_cstart, $3  }
0xc4: {  	[dreg:$0x1] =	wrdreg $0xFFFFFFFF  }
0xc5: {  	_ =	task.clear_ibuf [dreg:s9], $0x2FFFF;
	_ =	strace $0x9FFFFFFF  }
0xc6: {  	(tm) =	ssettm $0x7FFFFFFF  }
0xc7: {  	_ =	shalt  }
tec
execute0_lowered:
.L_overlay_start_1:
0x0: {  	(tag) =	ssettag $0x1  }
0x1: {  	s1 =	rddreg [dreg:$0x0]  }
0x2: {  	s2 =	rddreg [dreg:$0x1]  }
0x3: {  	s3 =	srdreg.scid;
	s4 =	rddreg [dreg:$0x2]  }
0x4: {  	s0 =	stileid.u32;
	s15 =	rddreg [dreg:$0x3];
	s5 =	simm.s32 $0x0  }
0x5: {  	s17 =	simm.s32 $0x4000;
	s18 =	simm.s32 $0x6000;
	s19 =	simm.s32 $0x8000  }
0x6: {  	s20 =	simm.s32 $0xA000;
	s21 =	simm.s32 $0x1;
	s22 =	simm.s32 $0x2  }
0x7: {  	s23 =	simm.s32 $0xC000;
	s24 =	simm.s32 $0x3;
	s25 =	simm.s32 $0x0  }
0x8: {  	s6 =	sand.u32 $0x1, s3;
	s31 =	sshll.u32 s0, $0x1;
	[smem:$0x7FF] =	sst s5  }
0x9: {  	s14 =	sor.u32 s6, s31;
	s6 =	ssub.s32 $0x2, s6;
	_ =	strace $0x80000047  }
0xa: {  	s13 =	smul.u32 $0xC000, s14;
	s7 =	sshrl.u32 s6, $0x1;
	s14 =	sshll.u32 s14, $0x1  }
.Ltmp0:
0xb: {  	s16 =	ssub.s32 s6, s7;
	s14 =	sadd.s32 s15, s14;
	(pc) =	sbr.rel .LBB2_1-.Ltmp0, $4  }
0xc: {  	s9 =	sshrl.u32 s13, $0x3;
	s12 =	sadd.s32 $0x4000, s13;
	s13 =	sadd.s32 $0x6000, s13  }
0xd: {  	s15 =	smax.u32 s16, $0x1;
	s16 =	simm.s32 $0x2000;
	s6 =	sadd.s32 s1, s9  }
0xe: {  	s7 =	sadd.s32 s2, s9;
	s8 =	sadd.s32 s4, s9;
	s11 =	sor.u32 $0x400, s9  }
0xf: {  	s9 =	sadd.s32 s1, s11;
	s10 =	sadd.s32 s2, s11;
	s11 =	sadd.s32 s4, s11  }
.LBB2_8:
0x10: {  	v1 =	vadd.f32 v1, v2;
	_ =	sdelay $0x1  }
0x11: {  	v1 =	vadd.f32 v3, v1;
	_ =	sdelay $0x1  }
0x12: {  	s25 =	sadd.s32 $0x1, s25;
	v0 =	vadd.f32 v0, v1  }
0x13: {  	p0 =	sne.s32 s25, s15  }
.Ltmp1:
0x14: {  	[tilespmem:$0xC000] =	vst v0;
	(pc) =	sbr.rel @!p0 .LBB2_9-.Ltmp1, $4  }
0x15: {  	[hbm4b:s14+s5] =	stream.linear.scatter [tilespmem:s23], [sflag:$0x3], $0x10, $0x38;
	[tilespmem:$0xC080] =	vst v63  }
0x16: {  	_ =	swait.ge [sflag:s24], $0x10  }
0x17: {  	[sflag:s24] =	ssyncset.done $0x0  }
0x18: {  	[sflag:s24] =	ssyncadd.s32 $0xFFFFFFF0  }
.LBB2_1:
0x19: {  	[tilespmem:s5], [sflag:$0x1] =	stream.linear.gather [hbm4b:s6+s5], $0x2000, $0x38;
	[tilespmem:$0xC080] =	vst v63  }
0x1a: {  	_ = 	snop  }
0x1b: {  	[tilespmem:s16], [sflag:$0x1] =	stream.linear.gather [hbm4b:s7+s5], $0x2000, $0x38;
	[tilespmem:$0xC080] =	vst v63  }
0x1c: {  	_ = 	snop  }
0x1d: {  	[tilespmem:s17], [sflag:$0x1] =	stream.linear.gather [hbm4b:s8+s5], $0x2000, $0x38;
	[tilespmem:$0xC080] =	vst v63  }
0x1e: {  	_ = 	snop  }
0x1f: {  	[tilespmem:s18], [sflag:$0x2] =	stream.linear.gather [hbm4b:s9+s5], $0x2000, $0x38;
	[tilespmem:$0xC080] =	vst v63  }
0x20: {  	_ = 	snop  }
0x21: {  	[tilespmem:s19], [sflag:$0x2] =	stream.linear.gather [hbm4b:s10+s5], $0x2000, $0x38;
	[tilespmem:$0xC080] =	vst v63  }
0x22: {  	v0 =	vimm.f32 $0.0e+00;
	s26 =	simm.s32 $0x0  }
0x23: {  	v3 =	vimm.f32 $0.0e+00;
	v1 =	vimm.f32 $0.0e+00;
	v2 =	vimm.f32 $0.0e+00;
	[tilespmem:s20], [sflag:$0x2] =	stream.linear.gather [hbm4b:s11+s5], $0x2000, $0x38;
	[tilespmem:$0xC080] =	vst v63  }
.LBB2_2:
0x24: {  	_ =	swait.ge [sflag:s21], $0x2000  }
0x25: {  	[sflag:s21] =	ssyncset.done $0x0  }
0x26: {  	[sflag:s21] =	ssyncadd.s32 $0xFFFFE000  }
0x27: {  	_ =	swait.ge [sflag:s21], $0x2000  }
0x28: {  	[sflag:s21] =	ssyncset.done $0x0  }
0x29: {  	[sflag:s21] =	ssyncadd.s32 $0xFFFFE000  }
0x2a: {  	_ =	swait.ge [sflag:s21], $0x2000  }
0x2b: {  	[sflag:s21] =	ssyncset.done $0x0  }
0x2c: {  	s29 =	simm.s32 $0x0;
	[sflag:s21] =	ssyncadd.s32 $0xFFFFE000  }
0x2d: {  	v5 =	vld [tilespmem:s29+$0x2070]  }
0x2e: {  	v6 =	vld [tilespmem:s29+$0x4070]  }
0x2f: {  	v7 =	vld [tilespmem:s29+$0x50]  }
0x30: {  	v16 =	vld [tilespmem:s29+$0x40]  }
0x31: {  	v8 =	vld [tilespmem:s29+$0x4050]  }
0x32: {  	v9 =	vld [tilespmem:s29+$0x20]  }
0x33: {  	v10 =	vld [tilespmem:s29+$0x2050]  }
0x34: {  	v11 =	vld [tilespmem:s29+$0x60]  }
0x35: {  	v12 =	vld [tilespmem:s29+$0x4040]  }
0x36: {  	v13 =	vld [tilespmem:s29+$0x2040]  }
0x37: {  	v17 =	vld [tilespmem:s29+$0x4060]  }
0x38: {  	v18 =	vld [tilespmem:s29+$0x2060]  }
0x39: {  	v4 =	vld [tilespmem:s29+$0x2030]  }
0x3a: {  	v19 =	vld [tilespmem:s29+$0x4020]  }
0x3b: {  	v20 =	vsub.f32 v10, v8;
	v10 =	vld [tilespmem:s29+$0x2020]  }
0x3c: {  	v21 =	vld [tilespmem:s29+$0x4010]  }
0x3d: {  	v22 =	vld [tilespmem:s29+$0x2010];
	v14 =	vsub.f32 v13, v12;
	v8 =	vmul.f32 $5.000000000e-01, v20  }
0x3e: {  	v15 =	vld [tilespmem:s29+$0x2000]  }
0x3f: {  	v13 =	vld [tilespmem:s29+$0x4000];
	vm0 =	vle.f32 v11, $5.000000000e-01;
	v12 =	vmul.f32 $5.000000000e-01, v14;
	v11 =	vadd.f32 $-5.000000000e-01, v8  }
0x40: {  	vm2 =	vle.f32 v7, $5.000000000e-01;
	v8 =	vsub.f32 v18, v17;
	v18 =	vld [tilespmem:s29+$0x4030];
	v10 =	vsub.f32 v10, v19  }
0x41: {  	vm1 =	vle.f32 v9, $5.000000000e-01;
	v23 =	vadd.f32 $-5.000000000e-01, v12;
	v7 =	vmax.f32 v11, $0.0e+00;
	v11 =	vld [tilespmem:s29+$0x0]  }
0x42: {  	v9 =	vsub.f32 v22, v21;
	v17 =	vld [tilespmem:s29+$0x10];
	v12 =	vmul.f32 $5.000000000e-01, v8;
	v19 =	vmul.f32 $5.000000000e-01, v10  }
0x43: {  	s28 =	simm.s32 $0x200;
	v7 =	vsel vm2, v7, v20;
	vm2 =	vle.f32 v16, $5.000000000e-01;
	v16 =	vld [tilespmem:s29+$0x30];
	v20 =	vmax.f32 v23, $0.0e+00  }
.LBB2_3:
0x44: {  	p0 =	sne.s32 s28, $0x7E00;
	v19 =	vadd.f32 $-5.000000000e-01, v19;
	v14 =	vsel vm2, v20, v14;
	v20 =	vld [tilespmem:s29+$0x70];
	s29 =	sshra.s32 s28, $0x2;
	s28 =	sadd.s32 $0x200, s28;
	v21 =	vsub.f32 v5, v6  }
0x45: {  	v13 =	vsub.f32 v15, v13;
	v5 =	vld [tilespmem:s29+$0x2070];
	v4 =	vsub.f32 v4, v18;
	v15 =	vmul.f32 v14, v14  }
0x46: {  	v6 =	vld [tilespmem:s29+$0x4070];
	vm2 =	vle.f32 v11, $5.000000000e-01;
	v11 =	vmul.f32 $5.000000000e-01, v21  }
0x47: {  	v14 =	vld [tilespmem:s29+$0x50];
	vm3 =	vle.f32 v17, $5.000000000e-01;
	v17 =	vmax.f32 v19, $0.0e+00;
	v18 =	vmul.f32 $5.000000000e-01, v4  }
0x48: {  	v19 =	vmul.f32 $5.000000000e-01, v9;
	v22 =	vld [tilespmem:s29+$0x40];
	v10 =	vsel vm1, v17, v10;
	vm1 =	vle.f32 v16, $5.000000000e-01  }
0x49: {  	v12 =	vadd.f32 $-5.000000000e-01, v12;
	v16 =	vld [tilespmem:s29+$0x4050];
	v10 =	vmul.f32 v10, v10;
	v17 =	vadd.f32 $-5.000000000e-01, v18  }
0x4a: {  	v23 =	vmul.f32 $5.000000000e-01, v13;
	v11 =	vadd.f32 $-5.000000000e-01, v11;
	v19 =	vadd.f32 $-5.000000000e-01, v19;
	v18 =	vld [tilespmem:s29+$0x20]  }
0x4b: {  	v12 =	vmax.f32 v12, $0.0e+00;
	vm4 =	vle.f32 v20, $5.000000000e-01;
	v24 =	vld [tilespmem:s29+$0x2050];
	v17 =	vmax.f32 v17, $0.0e+00  }
0x4c: {  	v23 =	vadd.f32 $-5.000000000e-01, v23;
	v11 =	vmax.f32 v11, $0.0e+00;
	v20 =	vld [tilespmem:s29+$0x60];
	v4 =	vsel vm1, v17, v4  }
0x4d: {  	v8 =	vsel vm0, v12, v8;
	v19 =	vmax.f32 v19, $0.0e+00;
	v11 =	vsel vm4, v11, v21;
	v17 =	vld [tilespmem:s29+$0x4040]  }
0x4e: {  	v21 =	vmax.f32 v23, $0.0e+00;
	v9 =	vsel vm3, v19, v9;
	v11 =	vmul.f32 v11, v11;
	v12 =	vld [tilespmem:s29+$0x2040]  }
0x4f: {  	v3 =	vadd.f32 v10, v3;
	v13 =	vsel vm2, v21, v13;
	v10 =	vmul.f32 v4, v4;
	v19 =	vld [tilespmem:s29+$0x4060]  }
0x50: {  	v7 =	vmul.f32 v7, v7;
	v13 =	vmul.f32 v13, v13;
	v16 =	vsub.f32 v24, v16;
	v21 =	vld [tilespmem:s29+$0x2060]  }
0x51: {  	v8 =	vmul.f32 v8, v8;
	v9 =	vmul.f32 v9, v9;
	v0 =	vadd.f32 v10, v0;
	v4 =	vld [tilespmem:s29+$0x2030]  }
0x52: {  	v2 =	vadd.f32 v13, v2;
	vm0 =	vle.f32 v20, $5.000000000e-01;
	v10 =	vld [tilespmem:s29+$0x4020];
	v23 =	vmul.f32 $5.000000000e-01, v16  }
0x53: {  	vm2 =	vle.f32 v14, $5.000000000e-01;
	v1 =	vadd.f32 v9, v1;
	v0 =	vadd.f32 v11, v0;
	v20 =	vld [tilespmem:s29+$0x2020]  }
0x54: {  	v3 =	vadd.f32 v8, v3;
	v14 =	vsub.f32 v12, v17;
	v9 =	vld [tilespmem:s29+$0x4010]  }
0x55: {  	v1 =	vadd.f32 v7, v1;
	v11 =	vadd.f32 $-5.000000000e-01, v23;
	v24 =	vld [tilespmem:s29+$0x2010]  }
0x56: {  	v2 =	vadd.f32 v15, v2;
	v8 =	vsub.f32 v21, v19;
	v13 =	vld [tilespmem:s29+$0x4000]  }
.Ltmp2:
0x57: {  	vm1 =	vle.f32 v18, $5.000000000e-01;
	v17 =	vmul.f32 $5.000000000e-01, v14;
	v7 =	vmax.f32 v11, $0.0e+00;
	v15 =	vld [tilespmem:s29+$0x2000];
	(pc) =	sbr.rel @p0 .LBB2_3-.Ltmp2, $4  }
0x58: {  	v7 =	vsel vm2, v7, v16;
	v12 =	vmul.f32 $5.000000000e-01, v8;
	v10 =	vsub.f32 v20, v10;
	v18 =	vld [tilespmem:s29+$0x4030]  }
0x59: {  	v20 =	vadd.f32 $-5.000000000e-01, v17;
	v11 =	vld [tilespmem:s29+$0x0]  }
0x5a: {  	vm2 =	vle.f32 v22, $5.000000000e-01;
	v17 =	vld [tilespmem:s29+$0x10];
	v9 =	vsub.f32 v24, v9;
	v19 =	vmul.f32 $5.000000000e-01, v10  }
0x5b: {  	v20 =	vmax.f32 v20, $0.0e+00;
	v16 =	vld [tilespmem:s29+$0x30]  }
0x5c: {  	s28 =	sshll.u32 s26, $0xE;
	p0 =	seq.s32 s26, $0x2  }
0x5d: {  	s30 =	sadd.s32 @!p0 s28, s12  }
0x5e: {  	s30 =	sshrl.u32 @!p0 s30, $0x3  }
0x5f: {  	v21 =	vld [tilespmem:s29+$0x70];
	s31 =	simm.s32 @!p0 $0x0;
	s29 =	sadd.s32 @!p0 s1, s30  }
0x60: {  	[tilespmem:s31], [sflag:$0x1] =	stream.linear.gather @!p0 [hbm4b:s29+s31], $0x2000, $0x38;
	[tilespmem:$0xC080] =	vst v63  }
0x61: {  	s3 =	simm.s32 @!p0 $0x2000;
	s29 =	sadd.s32 @!p0 s2, s30  }
0x62: {  	[tilespmem:s3], [sflag:$0x1] =	stream.linear.gather @!p0 [hbm4b:s29+s31], $0x2000, $0x38;
	[tilespmem:$0xC080] =	vst v63  }
0x63: {  	s3 =	sadd.s32 @!p0 s4, s30;
	s29 =	simm.s32 @!p0 $0x4000  }
0x64: {  	[tilespmem:s29], [sflag:$0x1] =	stream.linear.gather @!p0 [hbm4b:s3+s31], $0x2000, $0x38;
	[tilespmem:$0xC080] =	vst v63  }
0x65: {  	_ =	swait.ge [sflag:s22], $0x2000  }
0x66: {  	[sflag:s22] =	ssyncset.done $0x0  }
0x67: {  	[sflag:s22] =	ssyncadd.s32 $0xFFFFE000  }
0x68: {  	_ =	swait.ge [sflag:s22], $0x2000  }
0x69: {  	[sflag:s22] =	ssyncset.done $0x0  }
0x6a: {  	[sflag:s22] =	ssyncadd.s32 $0xFFFFE000  }
0x6b: {  	_ =	swait.ge [sflag:s22], $0x2000  }
0x6c: {  	[sflag:s22] =	ssyncset.done $0x0  }
0x6d: {  	s29 =	simm.s32 $0x0;
	[sflag:s22] =	ssyncadd.s32 $0xFFFFE000  }
0x6e: {  	v18 =	vsub.f32 v4, v18;
	v4 =	vld [tilespmem:s29+$0x8070]  }
0x6f: {  	v6 =	vsub.f32 v5, v6;
	v19 =	vadd.f32 $-5.000000000e-01, v19;
	v5 =	vld [tilespmem:s29+$0xA070]  }
0x70: {  	v14 =	vsel vm2, v20, v14;
	v13 =	vsub.f32 v15, v13;
	v20 =	vmul.f32 $5.000000000e-01, v18;
	v22 =	vld [tilespmem:s29+$0x6050]  }
0x71: {  	v23 =	vmul.f32 $5.000000000e-01, v9;
	v12 =	vadd.f32 $-5.000000000e-01, v12;
	v15 =	vmul.f32 $5.000000000e-01, v6;
	v24 =	vld [tilespmem:s29+$0x6040]  }
0x72: {  	vm2 =	vle.f32 v17, $5.000000000e-01;
	v17 =	vmax.f32 v19, $0.0e+00;
	v19 =	vadd.f32 $-5.000000000e-01, v20;
	v20 =	vld [tilespmem:s29+$0xA050]  }
0x73: {  	v25 =	vmul.f32 $5.000000000e-01, v13;
	v23 =	vadd.f32 $-5.000000000e-01, v23;
	v12 =	vmax.f32 v12, $0.0e+00;
	v26 =	vld [tilespmem:s29+$0x6020]  }
0x74: {  	v12 =	vsel vm0, v12, v8;
	v10 =	vsel vm1, v17, v10;
	vm1 =	vle.f32 v16, $5.000000000e-01;
	v17 =	vld [tilespmem:s29+$0x8050]  }
0x75: {  	v23 =	vmax.f32 v23, $0.0e+00;
	v16 =	vmax.f32 v19, $0.0e+00;
	v19 =	vadd.f32 $-5.000000000e-01, v25;
	v63 =	vld [tilespmem:s29+$0x6060]  }
0x76: {  	vm0 =	vle.f32 v11, $5.000000000e-01;
	v11 =	vadd.f32 $-5.000000000e-01, v15;
	v8 =	vsel vm2, v23, v9;
	v9 =	vld [tilespmem:s29+$0xA040]  }
0x77: {  	v10 =	vmul.f32 v10, v10;
	v16 =	vsel vm1, v16, v18;
	v15 =	vmax.f32 v19, $0.0e+00;
	v18 =	vld [tilespmem:s29+$0x8040]  }
0x78: {  	v7 =	vmul.f32 v7, v7;
	v13 =	vsel vm0, v15, v13;
	v15 =	vld [tilespmem:s29+$0xA060]  }
0x79: {  	v11 =	vmax.f32 v11, $0.0e+00;
	v3 =	vadd.f32 v10, v3;
	v13 =	vmul.f32 v13, v13;
	v19 =	vld [tilespmem:s29+$0x8060]  }
0x7a: {  	v10 =	vmul.f32 v8, v8;
	vm1 =	vle.f32 v21, $5.000000000e-01;
	v16 =	vmul.f32 v16, v16;
	v8 =	vld [tilespmem:s29+$0x8030]  }
0x7b: {  	v6 =	vsel vm1, v11, v6;
	v2 =	vadd.f32 v13, v2;
	v13 =	vmul.f32 v14, v14;
	v11 =	vld [tilespmem:s29+$0xA020]  }
0x7c: {  	v6 =	vmul.f32 v6, v6;
	v0 =	vadd.f32 v16, v0;
	v16 =	vld [tilespmem:s29+$0x8020];
	v17 =	vsub.f32 v17, v20  }
0x7d: {  	v1 =	vadd.f32 v10, v1;
	v10 =	vmul.f32 v12, v12;
	v2 =	vadd.f32 v13, v2;
	v13 =	vld [tilespmem:s29+$0xA000]  }
0x7e: {  	v0 =	vadd.f32 v6, v0;
	v20 =	vld [tilespmem:s29+$0xA010];
	v12 =	vsub.f32 v18, v9;
	v6 =	vmul.f32 $5.000000000e-01, v17  }
0x7f: {  	v3 =	vadd.f32 v10, v3;
	v1 =	vadd.f32 v7, v1;
	v9 =	vld [tilespmem:s29+$0x8010]  }
0x80: {  	v14 =	vld [tilespmem:s29+$0x8000];
	vm0 =	vle.f32 v63, $5.000000000e-01;
	v10 =	vmul.f32 $5.000000000e-01, v12;
	v6 =	vadd.f32 $-5.000000000e-01, v6  }
0x81: {  	vm2 =	vle.f32 v22, $5.000000000e-01;
	v7 =	vsub.f32 v19, v15;
	v18 =	vld [tilespmem:s29+$0xA030];
	v11 =	vsub.f32 v16, v11  }
0x82: {  	vm1 =	vle.f32 v26, $5.000000000e-01;
	v16 =	vld [tilespmem:s29+$0x6000];
	v21 =	vadd.f32 $-5.000000000e-01, v10;
	v6 =	vmax.f32 v6, $0.0e+00  }
0x83: {  	v19 =	vmul.f32 $5.000000000e-01, v11;
	v10 =	vmul.f32 $5.000000000e-01, v7;
	v6 =	vsel vm2, v6, v17;
	v17 =	vld [tilespmem:s29+$0x6010]  }
0x84: {  	s30 =	simm.s32 $0x200;
	v15 =	vld [tilespmem:s29+$0x6030];
	v9 =	vsub.f32 v9, v20;
	v20 =	vmax.f32 v21, $0.0e+00;
	vm2 =	vle.f32 v24, $5.000000000e-01  }
.LBB2_5:
0x85: {  	p1 =	sne.s32 s30, $0x7E00;
	v19 =	vadd.f32 $-5.000000000e-01, v19;
	v12 =	vsel vm2, v20, v12;
	v20 =	vld [tilespmem:s29+$0x6070];
	s29 =	sshra.s32 s30, $0x2;
	s30 =	sadd.s32 $0x200, s30;
	v21 =	vsub.f32 v4, v5  }
0x86: {  	v13 =	vsub.f32 v14, v13;
	v4 =	vld [tilespmem:s29+$0x8070];
	v8 =	vsub.f32 v8, v18;
	v14 =	vmul.f32 v12, v12  }
0x87: {  	v5 =	vld [tilespmem:s29+$0xA070];
	vm2 =	vle.f32 v16, $5.000000000e-01;
	v12 =	vmul.f32 $5.000000000e-01, v21  }
0x88: {  	v16 =	vld [tilespmem:s29+$0x6050];
	vm3 =	vle.f32 v17, $5.000000000e-01;
	v17 =	vmax.f32 v19, $0.0e+00;
	v18 =	vmul.f32 $5.000000000e-01, v8  }
0x89: {  	v19 =	vmul.f32 $5.000000000e-01, v9;
	v22 =	vld [tilespmem:s29+$0x6040];
	v11 =	vsel vm1, v17, v11;
	vm1 =	vle.f32 v15, $5.000000000e-01  }
0x8a: {  	v10 =	vadd.f32 $-5.000000000e-01, v10;
	v15 =	vld [tilespmem:s29+$0xA050];
	v11 =	vmul.f32 v11, v11;
	v17 =	vadd.f32 $-5.000000000e-01, v18  }
0x8b: {  	v23 =	vmul.f32 $5.000000000e-01, v13;
	v12 =	vadd.f32 $-5.000000000e-01, v12;
	v19 =	vadd.f32 $-5.000000000e-01, v19;
	v18 =	vld [tilespmem:s29+$0x6020]  }
0x8c: {  	v10 =	vmax.f32 v10, $0.0e+00;
	vm4 =	vle.f32 v20, $5.000000000e-01;
	v24 =	vld [tilespmem:s29+$0x8050];
	v17 =	vmax.f32 v17, $0.0e+00  }
0x8d: {  	v23 =	vadd.f32 $-5.000000000e-01, v23;
	v12 =	vmax.f32 v12, $0.0e+00;
	v20 =	vld [tilespmem:s29+$0x6060];
	v8 =	vsel vm1, v17, v8  }
0x8e: {  	v7 =	vsel vm0, v10, v7;
	v19 =	vmax.f32 v19, $0.0e+00;
	v10 =	vsel vm4, v12, v21;
	v17 =	vld [tilespmem:s29+$0xA040]  }
0x8f: {  	v21 =	vmax.f32 v23, $0.0e+00;
	v9 =	vsel vm3, v19, v9;
	v10 =	vmul.f32 v10, v10;
	v12 =	vld [tilespmem:s29+$0x8040]  }
0x90: {  	v3 =	vadd.f32 v11, v3;
	v13 =	vsel vm2, v21, v13;
	v11 =	vmul.f32 v8, v8;
	v19 =	vld [tilespmem:s29+$0xA060]  }
0x91: {  	v6 =	vmul.f32 v6, v6;
	v13 =	vmul.f32 v13, v13;
	v15 =	vsub.f32 v24, v15;
	v21 =	vld [tilespmem:s29+$0x8060]  }
0x92: {  	v7 =	vmul.f32 v7, v7;
	v9 =	vmul.f32 v9, v9;
	v0 =	vadd.f32 v11, v0;
	v8 =	vld [tilespmem:s29+$0x8030]  }
0x93: {  	v2 =	vadd.f32 v13, v2;
	vm0 =	vle.f32 v20, $5.000000000e-01;
	v11 =	vld [tilespmem:s29+$0xA020];
	v23 =	vmul.f32 $5.000000000e-01, v15  }
0x94: {  	vm2 =	vle.f32 v16, $5.000000000e-01;
	v1 =	vadd.f32 v9, v1;
	v0 =	vadd.f32 v10, v0;
	v20 =	vld [tilespmem:s29+$0x8020]  }
0x95: {  	v3 =	vadd.f32 v7, v3;
	v12 =	vsub.f32 v12, v17;
	v9 =	vld [tilespmem:s29+$0xA010]  }
0x96: {  	v1 =	vadd.f32 v6, v1;
	v10 =	vadd.f32 $-5.000000000e-01, v23;
	v24 =	vld [tilespmem:s29+$0x8010]  }
0x97: {  	v2 =	vadd.f32 v14, v2;
	v7 =	vsub.f32 v21, v19;
	v13 =	vld [tilespmem:s29+$0xA000]  }
.Ltmp3:
0x98: {  	vm1 =	vle.f32 v18, $5.000000000e-01;
	v17 =	vmul.f32 $5.000000000e-01, v12;
	v6 =	vmax.f32 v10, $0.0e+00;
	v14 =	vld [tilespmem:s29+$0x8000];
	(pc) =	sbr.rel @p1 .LBB2_5-.Ltmp3, $4  }
0x99: {  	v6 =	vsel vm2, v6, v15;
	v10 =	vmul.f32 $5.000000000e-01, v7;
	v11 =	vsub.f32 v20, v11;
	v18 =	vld [tilespmem:s29+$0xA030]  }
0x9a: {  	v20 =	vadd.f32 $-5.000000000e-01, v17;
	v16 =	vld [tilespmem:s29+$0x6000]  }
0x9b: {  	vm2 =	vle.f32 v22, $5.000000000e-01;
	v17 =	vld [tilespmem:s29+$0x6010];
	v9 =	vsub.f32 v24, v9;
	v19 =	vmul.f32 $5.000000000e-01, v11  }
0x9c: {  	v20 =	vmax.f32 v20, $0.0e+00;
	v15 =	vld [tilespmem:s29+$0x6030]  }
0x9d: {  	v12 =	vsel vm2, v20, v12;
	v4 =	vsub.f32 v4, v5;
	v52 =	vadd.f32 $-5.000000000e-01, v19  }
0x9e: {  	v13 =	vsub.f32 v14, v13;
	v55 =	vmul.f32 $5.000000000e-01, v9;
	v10 =	vadd.f32 $-5.000000000e-01, v10  }
0x9f: {  	v6 =	vmul.f32 v6, v6;
	v5 =	vsub.f32 v8, v18;
	v12 =	vmul.f32 v12, v12  }
0xa0: {  	vm14 =	vle.f32 v16, $5.000000000e-01;
	v54 =	vmul.f32 $5.000000000e-01, v4;
	v8 =	vmax.f32 v52, $0.0e+00  }
0xa1: {  	v57 =	vmul.f32 $5.000000000e-01, v13;
	v10 =	vmax.f32 v10, $0.0e+00;
	v18 =	vmul.f32 $5.000000000e-01, v5  }
0xa2: {  	v53 =	vld [tilespmem:s29+$0x6070];
	vm3 =	vle.f32 v17, $5.000000000e-01;
	v8 =	vsel vm1, v8, v11;
	v17 =	vadd.f32 $-5.000000000e-01, v55  }
0xa3: {  	v7 =	vsel vm0, v10, v7;
	v58 =	vadd.f32 $-5.000000000e-01, v57;
	v56 =	vadd.f32 $-5.000000000e-01, v18  }
0xa4: {  	vm15 =	vle.f32 v15, $5.000000000e-01;
	v8 =	vmul.f32 v8, v8;
	v16 =	vadd.f32 $-5.000000000e-01, v54  }
0xa5: {  	v60 =	vmax.f32 v17, $0.0e+00;
	v61 =	vmax.f32 v58, $0.0e+00;
	v11 =	vmax.f32 v56, $0.0e+00  }
0xa6: {  	v62 =	vsel vm3, v60, v9;
	v5 =	vsel vm15, v11, v5;
	v11 =	vsel vm14, v61, v13  }
0xa7: {  	vm4 =	vle.f32 v53, $5.000000000e-01;
	v9 =	vmul.f32 v62, v62;
	v63 =	vmul.f32 v11, v11  }
.Ltmp4:
0xa8: {  	v59 =	vmax.f32 v16, $0.0e+00;
	v3 =	vadd.f32 v8, v3;
	v5 =	vmul.f32 v5, v5;
	(pc) =	sbr.rel @p0 .LBB2_8-.Ltmp4, $4  }
0xa9: {  	v4 =	vsel vm4, v59, v4;
	v1 =	vadd.f32 v9, v1;
	v2 =	vadd.f32 v63, v2  }
0xaa: {  	v4 =	vmul.f32 v4, v4;
	v0 =	vadd.f32 v5, v0;
	v5 =	vmul.f32 v7, v7  }
0xab: {  	v1 =	vadd.f32 v6, v1;
	v2 =	vadd.f32 v12, v2  }
0xac: {  	v0 =	vadd.f32 v4, v0;
	v3 =	vadd.f32 v5, v3  }
0xad: {  	s3 =	sadd.s32 s28, s13  }
0xae: {  	s3 =	sshrl.u32 s3, $0x3  }
0xaf: {  	s30 =	sadd.s32 s1, s3  }
0xb0: {  	[tilespmem:s18], [sflag:$0x2] =	stream.linear.gather [hbm4b:s30+s5], $0x2000, $0x38;
	[tilespmem:$0xC080] =	vst v63  }
.Ltmp5:
0xb1: {  	_ = 	snop;
	(pc) =	sbr.rel .LBB2_2-.Ltmp5, $4  }
0xb2: {  	s31 =	sadd.s32 s2, s3  }
0xb3: {  	[tilespmem:s19], [sflag:$0x2] =	stream.linear.gather [hbm4b:s31+s5], $0x2000, $0x38;
	[tilespmem:$0xC080] =	vst v63  }
0xb4: {  	s26 =	sadd.s32 $0x1, s26;
	s3 =	sadd.s32 s4, s3  }
0xb5: {  	[tilespmem:s20], [sflag:$0x2] =	stream.linear.gather [hbm4b:s3+s5], $0x2000, $0x38;
	[tilespmem:$0xC080] =	vst v63  }
.LBB2_9:
0xb6: {  	_ =	sfence.sel $0x180000  }
0xb7: {  	[bflag:$0x0] =	sbarrier.arrive $0xFFFF  }
0xb8: {  	_ =	strace $0x90000047  }
0xb9: {  	[bflag:$0x2] =	sbarrier.arrive $0xFFFF  }
0xba: {  	p0 =	sne.s32 s0, $0x0;
	s0 =	rddreg [dreg:$0x4]  }
0xbb: {  	s0 =	sadd.s32 @!p0 $0x100000, s0  }
0xbc: {  	[sflag:s0] =	ssyncadd.tile.s32 @!p0 $0x1;
	_ =	shalt  }
.Lfunc_end2:
_tile_overlayer_lowered:
.L_overlay_start_2:
0xbd: {  	(tag) =	ssettag $0x2  }
0xbe: {  	s0 =	rddreg [dreg:$0x0];
	s2 =	stileid.u32  }
0xbf: {  	s1 =	rddreg [dreg:$0x1];
	p0 =	sne.s32 s2, $0x0  }
0xc0: {  	s3 =	rddreg [dreg:$0x2];
	[bflag:$0x3] =	sbarrier.arrive $0xFFFF;
	s2 =	simm.s32 @!p0 $0x1C01  }
0xc1: {  	[timem:s3], [sflag:s2] =	dma.local @!p0 [hbm:s0], s1  }
0xc2: {  	s0 =	simm.s32 @!p0 $0x1  }
0xc3: {  	_ =	swait.ge @!p0 [sflag:s0], s1  }
0xc4: {  	s1 =	ssub.s32 @!p0 $0x0, s1;
	[sflag:s0] =	ssyncset.done @!p0 $0x0  }
0xc5: {  	[sflag:s0] =	ssyncadd.s32 @!p0 s1  }
0xc6: {  	[bflag:$0x3] =	sbarrier.arrive $0xFFFF  }
0xc7: {  	_ =	shalt  }

</sc_bundles>
